<compile_context>
chip_gen: v7x
topology: tpu7x:2x2x1
jax: 0.10.2.dev20260603
libtpu: 0.0.44.dev20260713+nightly
codegen_flags: <defaults>
</compile_context>

<pallas_src>
import functools

import jax
import jax.numpy as jnp
from jax import lax
from jax.experimental import pallas as pl
from jax.experimental.pallas import tpu as pltpu
from jax.experimental.pallas import tpu_sc as plsc

_NC = 2
_NS = 16



@functools.lru_cache(maxsize=None)
def _make_deg_kernel(n, e):
    nw = _NC * _NS
    e_per_tile = e // nw
    k = 80
    assert e % nw == 0 and e_per_tile % k == 0
    n_chunks = e_per_tile // k
    rows_per_sub = (pl.cdiv(n, _NS) + 7) // 8 * 8
    n_pad = rows_per_sub * _NS
    w = 16

    mesh = plsc.VectorSubcoreMesh(core_axis_name="c", subcore_axis_name="s")

    @functools.partial(
        pl.kernel,
        out_type=jax.ShapeDtypeStruct((_NC, n_pad, w), jnp.float32),
        mesh=mesh,
        scratch_types=[
            pltpu.VMEM((k,), jnp.int32),
            pltpu.VMEM((k, w), jnp.float32),
            pltpu.VMEM_SHARED((n_pad, w), jnp.float32),
        ],
    )
    def deg_kernel(dst_hbm, zeros_hbm, out_hbm, dst_v, ones_v, acc):
        c = lax.axis_index("c")
        s = lax.axis_index("s")
        r0 = s * rows_per_sub
        pltpu.sync_copy(zeros_hbm.at[pl.ds(r0, rows_per_sub)],
                        acc.at[pl.ds(r0, rows_per_sub)])
        for i in range(k):
            ones_v[i, :] = jnp.full((w,), 1.0, jnp.float32)
        plsc.subcore_barrier()

        wid = s * _NC + c
        base = wid * e_per_tile

        def body(i, carry):
            pltpu.sync_copy(dst_hbm.at[pl.ds(base + i * k, k)], dst_v)
            pltpu.sync_copy(ones_v, acc.at[dst_v], add=True)
            return carry

        lax.fori_loop(0, n_chunks, body, 0)
        plsc.subcore_barrier()
        pltpu.sync_copy(acc.at[pl.ds(r0, rows_per_sub)],
                        out_hbm.at[c, pl.ds(r0, rows_per_sub)])

    return deg_kernel


@functools.lru_cache(maxsize=None)
def _make_agg_kernel(n, e, d):
    nw = _NC * _NS
    e_per_tile = e // nw
    k = 80
    assert e % nw == 0 and e_per_tile % k == 0
    n_chunks = e_per_tile // k
    rows_per_sub = (pl.cdiv(n, _NS) + 7) // 8 * 8
    n_pad = rows_per_sub * _NS

    mesh = plsc.VectorSubcoreMesh(core_axis_name="c", subcore_axis_name="s")

    @functools.partial(
        pl.kernel,
        out_type=jax.ShapeDtypeStruct((_NC, n_pad, d), jnp.float32),
        mesh=mesh,
        scratch_types=[
            pltpu.VMEM((k,), jnp.int32),
            pltpu.VMEM((k,), jnp.int32),
            pltpu.VMEM((k, d), jnp.float32),
            pltpu.VMEM_SHARED((n_pad, d), jnp.float32),
            pltpu.SemaphoreType.DMA,
        ],
    )
    def agg_kernel(hp_hbm, src_hbm, dst_hbm, zeros_hbm, out_hbm,
                   src_v, dst_v, rows_v, acc, sem):
        c = lax.axis_index("c")
        s = lax.axis_index("s")
        r0 = s * rows_per_sub
        pltpu.sync_copy(zeros_hbm.at[pl.ds(r0, rows_per_sub)],
                        acc.at[pl.ds(r0, rows_per_sub)])
        plsc.subcore_barrier()

        wid = s * _NC + c
        base = wid * e_per_tile

        def body(i, carry):
            off = base + i * k
            pltpu.sync_copy(src_hbm.at[pl.ds(off, k)], src_v)
            pltpu.sync_copy(dst_hbm.at[pl.ds(off, k)], dst_v)
            pltpu.async_copy(hp_hbm.at[src_v], rows_v, sem).wait()
            pltpu.sync_copy(rows_v, acc.at[dst_v], add=True)
            return carry

        lax.fori_loop(0, n_chunks, body, 0)
        plsc.subcore_barrier()
        pltpu.sync_copy(acc.at[pl.ds(r0, rows_per_sub)],
                        out_hbm.at[c, pl.ds(r0, rows_per_sub)])

    return agg_kernel



_BN = 1000


def _prep_body(pdeg_ref, x_ref, w_ref, hp_ref, dinv_ref):
    deg = pdeg_ref[0, :, 0:1] + pdeg_ref[1, :, 0:1] + 1.0
    dinv = lax.rsqrt(deg)
    u = jnp.dot(x_ref[...], w_ref[...], preferred_element_type=jnp.float32)
    hp_ref[...] = u * dinv
    dinv_ref[...] = dinv


def _mid_body(pa_ref, hp_ref, dinv_ref, b_ref, w_ref, out_ref):
    s = pa_ref[0] + pa_ref[1] + hp_ref[...]
    h1 = s * dinv_ref[...] + b_ref[...]
    x2 = jnp.maximum(h1, 0.0)
    u = jnp.dot(x2, w_ref[...], preferred_element_type=jnp.float32)
    out_ref[...] = u * dinv_ref[...]


def _final_body(pa_ref, hp_ref, dinv_ref, b_ref, out_ref):
    s = pa_ref[0] + pa_ref[1] + hp_ref[...]
    out_ref[...] = s * dinv_ref[...] + b_ref[...]


def _tc_prep(pdeg, x, w1):
    n, d_in = x.shape
    d_hid = w1.shape[1]
    grid = n // _BN
    return pl.pallas_call(
        _prep_body,
        grid=(grid,),
        in_specs=[
            pl.BlockSpec((_NC, _BN, pdeg.shape[2]), lambda i: (0, i, 0)),
            pl.BlockSpec((_BN, d_in), lambda i: (i, 0)),
            pl.BlockSpec((d_in, d_hid), lambda i: (0, 0)),
        ],
        out_specs=[
            pl.BlockSpec((_BN, d_hid), lambda i: (i, 0)),
            pl.BlockSpec((_BN, 1), lambda i: (i, 0)),
        ],
        out_shape=[
            jax.ShapeDtypeStruct((n, d_hid), jnp.float32),
            jax.ShapeDtypeStruct((n, 1), jnp.float32),
        ],
    )(pdeg, x, w1)


def _tc_mid(pagg, hp, dinv, b1, w2):
    n, d = hp.shape
    d_out = w2.shape[1]
    grid = n // _BN
    return pl.pallas_call(
        _mid_body,
        grid=(grid,),
        in_specs=[
            pl.BlockSpec((_NC, _BN, d), lambda i: (0, i, 0)),
            pl.BlockSpec((_BN, d), lambda i: (i, 0)),
            pl.BlockSpec((_BN, 1), lambda i: (i, 0)),
            pl.BlockSpec((1, d), lambda i: (0, 0)),
            pl.BlockSpec((d, d_out), lambda i: (0, 0)),
        ],
        out_specs=pl.BlockSpec((_BN, d_out), lambda i: (i, 0)),
        out_shape=jax.ShapeDtypeStruct((n, d_out), jnp.float32),
    )(pagg, hp, dinv, b1.reshape(1, d), w2)


def _tc_final(pagg, hp, dinv, b2):
    n, d = hp.shape
    grid = n // _BN
    return pl.pallas_call(
        _final_body,
        grid=(grid,),
        in_specs=[
            pl.BlockSpec((_NC, _BN, d), lambda i: (0, i, 0)),
            pl.BlockSpec((_BN, d), lambda i: (i, 0)),
            pl.BlockSpec((_BN, 1), lambda i: (i, 0)),
            pl.BlockSpec((1, d), lambda i: (0, 0)),
        ],
        out_specs=pl.BlockSpec((_BN, d), lambda i: (i, 0)),
        out_shape=jax.ShapeDtypeStruct((n, d), jnp.float32),
    )(pagg, hp, dinv, b2.reshape(1, d))



def kernel(x, edge_index, W1, b1, W2, b2):
    n, d = x.shape
    e = edge_index.shape[1]
    src = edge_index[0]
    dst = edge_index[1]

    n_pad = ((pl.cdiv(n, _NS) + 7) // 8 * 8) * _NS
    zeros_w = jnp.zeros((n_pad, 16), jnp.float32)
    zeros_d = jnp.zeros((n_pad, d), jnp.float32)

    pdeg = _make_deg_kernel(n, e)(dst, zeros_w)[:, :n]
    agg = _make_agg_kernel(n, e, d)

    hp1, dinv = _tc_prep(pdeg, x, W1)
    p1 = agg(hp1, src, dst, zeros_d)[:, :n]
    hp2 = _tc_mid(p1, hp1, dinv, b1, W2)
    p2 = agg(hp2, src, dst, zeros_d)[:, :n]
    return _tc_final(p2, hp2, dinv, b2)

# --- scband reference (transcript-rebuilt; emitter-appended) ---
"""Pipeline reference for scband-gcn-12120397709776 (READ-ONLY COPY).

The authoritative reference and input builder live on the scoring server;
editing this copy changes nothing except your own understanding.
"""

import jax, jax.numpy as jnp
import numpy as np

N = 10000
E = 320000
D_IN = 128
D_HID = 128
D_OUT = 128


def glorot(key, shape):
    scale = jnp.sqrt(6.0 / (shape[0] + shape[1]))
    return jax.random.uniform(key, shape, dtype=jnp.float32, minval=-scale, maxval=scale)


def setup_inputs(seed: int = 0) -> dict:
    key = jax.random.key(seed)
    ks = jax.random.split(key, 6)
    x = jax.random.normal(ks[0], (N, D_IN), dtype=jnp.float32)
    edge_index = jax.random.randint(ks[1], (2, E), 0, N, dtype=jnp.int32)
    W1 = glorot(ks[2], (D_IN, D_HID))
    b1 = jnp.zeros((D_HID,), dtype=jnp.float32)
    W2 = glorot(ks[3], (D_HID, D_OUT))
    b2 = jnp.zeros((D_OUT,), dtype=jnp.float32)
    return {"x": x, "edge_index": edge_index, "W1": W1, "b1": b1, "W2": W2, "b2": b2}


def gcn_conv(x, edge_index, W, b):
    # PyG GCNConv (normalize=True): add self-loops, symmetric D^-1/2 (A+I) D^-1/2, linear-then-aggregate
    n = x.shape[0]
    loop = jnp.arange(n, dtype=edge_index.dtype)
    src = jnp.concatenate([edge_index[0], loop])
    dst = jnp.concatenate([edge_index[1], loop])
    deg = jnp.zeros((n,), x.dtype).at[dst].add(1.0)
    dinv = jnp.where(deg > 0, jax.lax.rsqrt(deg), 0.0)
    norm = dinv[src] * dinv[dst]
    h = x @ W
    msg = h[src] * norm[:, None]
    out = jnp.zeros((n, h.shape[1]), h.dtype).at[dst].add(msg)
    return out + b


def reference(x, edge_index, W1, b1, W2, b2):
    # num_layers=2, dropout=0.0 (identity), eval-mode forward
    h = gcn_conv(x, edge_index, W1, b1)
    h = jax.nn.relu(h)
    out = gcn_conv(h, edge_index, W2, b2)
    return out

if __name__ == "__main__":
    import jax
    _d = setup_inputs()
    print(jax.jit(kernel)(*tuple(_d.values())))

</pallas_src>

<mosaic_0001>
#map = affine_map<(d0, d1) -> (0)>
#map1 = affine_map<(d0, d1) -> (0, 0)>
#map2 = affine_map<(d0, d1) -> (0, 0, 0)>
module attributes {stable_mosaic.version = 14 : i64} {
  func.func @deg_kernel(%arg0: i32, %arg1: i32, %arg2: memref<320000xi32, #tpu.memory_space<hbm>>, %arg3: memref<10112x16xf32, #tpu.memory_space<hbm>>, %arg4: memref<2x10112x16xf32, #tpu.memory_space<hbm>>, %arg5: memref<80xi32, #tpu.memory_space<vmem>>, %arg6: memref<80x16xf32, #tpu.memory_space<vmem>>, %arg7: memref<10112x16xf32, #tpu.memory_space<vmem_shared>>) attributes {dimension_semantics = [#tpu.dimension_semantics<core_parallel>, #tpu.dimension_semantics<subcore_parallel>], iteration_bounds = array<i64: 2, 16>, scalar_prefetch = 0 : i64, scratch_operands = 3 : i64, tpu.core_type = #tpu.core_type<sc_vector_subcore>, window_params = [{transform_indices = #map}, {transform_indices = #map1}, {transform_indices = #map2}]} {
    %mul3A = arith.constant 632 : i32
    %mul3A_0 = arith.muli %arg1, %mul3A : i32
    "tpu.region"() ({
      %run_scoped3A = tpu.sem_alloc : memref<!tpu.dma_semaphore, #tpu.memory_space<semaphore_mem>>
      %dma_start3A = arith.constant 0 : i32
      %dma_start3A_649 = tpu.memref_slice %arg7[%mul3A_0, %dma_start3A] : memref<10112x16xf32, #tpu.memory_space<vmem_shared>> -> memref<632x16xf32, #tpu.memory_space<vmem_shared>>
      %dma_start3A_650 = arith.constant 0 : i32
      %dma_start3A_651 = tpu.memref_slice %arg3[%mul3A_0, %dma_start3A_650] : memref<10112x16xf32, #tpu.memory_space<hbm>> -> memref<632x16xf32, #tpu.memory_space<hbm>>
      tpu.enqueue_dma source(%dma_start3A_651 : memref<632x16xf32, #tpu.memory_space<hbm>>) target(%dma_start3A_649 : memref<632x16xf32, #tpu.memory_space<vmem_shared>>) target_semaphore(%run_scoped3A : memref<!tpu.dma_semaphore, #tpu.memory_space<semaphore_mem>>)
      %dma_wait3A = arith.constant 0 : i32
      %dma_wait3A_652 = tpu.memref_slice %arg7[%mul3A_0, %dma_wait3A] : memref<10112x16xf32, #tpu.memory_space<vmem_shared>> -> memref<632x16xf32, #tpu.memory_space<vmem_shared>>
      %dma_wait3A_653 = arith.constant 0 : i32
      %dma_wait3A_654 = tpu.memref_slice %arg3[%mul3A_0, %dma_wait3A_653] : memref<10112x16xf32, #tpu.memory_space<hbm>> -> memref<632x16xf32, #tpu.memory_space<hbm>>
      tpu.wait_dma2 semaphore(%run_scoped3A : memref<!tpu.dma_semaphore, #tpu.memory_space<semaphore_mem>>) src(%dma_wait3A_654 : memref<632x16xf32, #tpu.memory_space<hbm>>) dst(%dma_wait3A_652 : memref<632x16xf32, #tpu.memory_space<vmem_shared>>)
      tpu.yield
    }) : () -> ()
    %broadcast_in_dim3A = arith.constant 1.000000e+00 : f32
    %broadcast_in_dim3A_1 = vector.broadcast %broadcast_in_dim3A : f32 to vector<16xf32>
    %swap3A = arith.constant 0 : i32
    %swap3A_2 = arith.index_cast %swap3A : i32 to index
    %swap3A_3 = arith.constant 0 : index
    %swap3A_4 = tpu.vector_load %arg6[%swap3A_2, %swap3A_3] {strides = array<i32>} : memref<80x16xf32, #tpu.memory_space<vmem>>, vector<1x16xf32>,
    %swap3A_5 = vector.shape_cast %swap3A_4 : vector<1x16xf32> to vector<16xf32>
    %swap3A_6 = vector.shape_cast %broadcast_in_dim3A_1 : vector<16xf32> to vector<1x16xf32>
    tpu.vector_store %arg6[%swap3A_2, %swap3A_3], %swap3A_6 {strides = array<i32>} : memref<80x16xf32, #tpu.memory_space<vmem>>, vector<1x16xf32>,
    %broadcast_in_dim3A_7 = arith.constant 1.000000e+00 : f32
    %broadcast_in_dim3A_8 = vector.broadcast %broadcast_in_dim3A_7 : f32 to vector<16xf32>
    %swap3A_9 = arith.constant 1 : i32
    %swap3A_10 = arith.index_cast %swap3A_9 : i32 to index
    %swap3A_11 = arith.constant 0 : index
    %swap3A_12 = tpu.vector_load %arg6[%swap3A_10, %swap3A_11] {strides = array<i32>} : memref<80x16xf32, #tpu.memory_space<vmem>>, vector<1x16xf32>,
    %swap3A_13 = vector.shape_cast %swap3A_12 : vector<1x16xf32> to vector<16xf32>
    %swap3A_14 = vector.shape_cast %broadcast_in_dim3A_8 : vector<16xf32> to vector<1x16xf32>
    tpu.vector_store %arg6[%swap3A_10, %swap3A_11], %swap3A_14 {strides = array<i32>} : memref<80x16xf32, #tpu.memory_space<vmem>>, vector<1x16xf32>,
    %broadcast_in_dim3A_15 = arith.constant 1.000000e+00 : f32
    %broadcast_in_dim3A_16 = vector.broadcast %broadcast_in_dim3A_15 : f32 to vector<16xf32>
    %swap3A_17 = arith.constant 2 : i32
    %swap3A_18 = arith.index_cast %swap3A_17 : i32 to index
    %swap3A_19 = arith.constant 0 : index
    %swap3A_20 = tpu.vector_load %arg6[%swap3A_18, %swap3A_19] {strides = array<i32>} : memref<80x16xf32, #tpu.memory_space<vmem>>, vector<1x16xf32>,
    %swap3A_21 = vector.shape_cast %swap3A_20 : vector<1x16xf32> to vector<16xf32>
    %swap3A_22 = vector.shape_cast %broadcast_in_dim3A_16 : vector<16xf32> to vector<1x16xf32>
    tpu.vector_store %arg6[%swap3A_18, %swap3A_19], %swap3A_22 {strides = array<i32>} : memref<80x16xf32, #tpu.memory_space<vmem>>, vector<1x16xf32>,
    %broadcast_in_dim3A_23 = arith.constant 1.000000e+00 : f32
    %broadcast_in_dim3A_24 = vector.broadcast %broadcast_in_dim3A_23 : f32 to vector<16xf32>
    %swap3A_25 = arith.constant 3 : i32
    %swap3A_26 = arith.index_cast %swap3A_25 : i32 to index
    %swap3A_27 = arith.constant 0 : index
    %swap3A_28 = tpu.vector_load %arg6[%swap3A_26, %swap3A_27] {strides = array<i32>} : memref<80x16xf32, #tpu.memory_space<vmem>>, vector<1x16xf32>,
    %swap3A_29 = vector.shape_cast %swap3A_28 : vector<1x16xf32> to vector<16xf32>
    %swap3A_30 = vector.shape_cast %broadcast_in_dim3A_24 : vector<16xf32> to vector<1x16xf32>
    tpu.vector_store %arg6[%swap3A_26, %swap3A_27], %swap3A_30 {strides = array<i32>} : memref<80x16xf32, #tpu.memory_space<vmem>>, vector<1x16xf32>,
    %broadcast_in_dim3A_31 = arith.constant 1.000000e+00 : f32
    %broadcast_in_dim3A_32 = vector.broadcast %broadcast_in_dim3A_31 : f32 to vector<16xf32>
    %swap3A_33 = arith.constant 4 : i32
    %swap3A_34 = arith.index_cast %swap3A_33 : i32 to index
    %swap3A_35 = arith.constant 0 : index
    %swap3A_36 = tpu.vector_load %arg6[%swap3A_34, %swap3A_35] {strides = array<i32>} : memref<80x16xf32, #tpu.memory_space<vmem>>, vector<1x16xf32>,
    %swap3A_37 = vector.shape_cast %swap3A_36 : vector<1x16xf32> to vector<16xf32>
    %swap3A_38 = vector.shape_cast %broadcast_in_dim3A_32 : vector<16xf32> to vector<1x16xf32>
    tpu.vector_store %arg6[%swap3A_34, %swap3A_35], %swap3A_38 {strides = array<i32>} : memref<80x16xf32, #tpu.memory_space<vmem>>, vector<1x16xf32>,
    %broadcast_in_dim3A_39 = arith.constant 1.000000e+00 : f32
    %broadcast_in_dim3A_40 = vector.broadcast %broadcast_in_dim3A_39 : f32 to vector<16xf32>
    %swap3A_41 = arith.constant 5 : i32
    %swap3A_42 = arith.index_cast %swap3A_41 : i32 to index
    %swap3A_43 = arith.constant 0 : index
    %swap3A_44 = tpu.vector_load %arg6[%swap3A_42, %swap3A_43] {strides = array<i32>} : memref<80x16xf32, #tpu.memory_space<vmem>>, vector<1x16xf32>,
    %swap3A_45 = vector.shape_cast %swap3A_44 : vector<1x16xf32> to vector<16xf32>
    %swap3A_46 = vector.shape_cast %broadcast_in_dim3A_40 : vector<16xf32> to vector<1x16xf32>
    tpu.vector_store %arg6[%swap3A_42, %swap3A_43], %swap3A_46 {strides = array<i32>} : memref<80x16xf32, #tpu.memory_space<vmem>>, vector<1x16xf32>,
    %broadcast_in_dim3A_47 = arith.constant 1.000000e+00 : f32
    %broadcast_in_dim3A_48 = vector.broadcast %broadcast_in_dim3A_47 : f32 to vector<16xf32>
    %swap3A_49 = arith.constant 6 : i32
    %swap3A_50 = arith.index_cast %swap3A_49 : i32 to index
    %swap3A_51 = arith.constant 0 : index
    %swap3A_52 = tpu.vector_load %arg6[%swap3A_50, %swap3A_51] {strides = array<i32>} : memref<80x16xf32, #tpu.memory_space<vmem>>, vector<1x16xf32>,
    %swap3A_53 = vector.shape_cast %swap3A_52 : vector<1x16xf32> to vector<16xf32>
    %swap3A_54 = vector.shape_cast %broadcast_in_dim3A_48 : vector<16xf32> to vector<1x16xf32>
    tpu.vector_store %arg6[%swap3A_50, %swap3A_51], %swap3A_54 {strides = array<i32>} : memref<80x16xf32, #tpu.memory_space<vmem>>, vector<1x16xf32>,
    %broadcast_in_dim3A_55 = arith.constant 1.000000e+00 : f32
    %broadcast_in_dim3A_56 = vector.broadcast %broadcast_in_dim3A_55 : f32 to vector<16xf32>
    %swap3A_57 = arith.constant 7 : i32
    %swap3A_58 = arith.index_cast %swap3A_57 : i32 to index
    %swap3A_59 = arith.constant 0 : index
    %swap3A_60 = tpu.vector_load %arg6[%swap3A_58, %swap3A_59] {strides = array<i32>} : memref<80x16xf32, #tpu.memory_space<vmem>>, vector<1x16xf32>,
    %swap3A_61 = vector.shape_cast %swap3A_60 : vector<1x16xf32> to vector<16xf32>
    %swap3A_62 = vector.shape_cast %broadcast_in_dim3A_56 : vector<16xf32> to vector<1x16xf32>
    tpu.vector_store %arg6[%swap3A_58, %swap3A_59], %swap3A_62 {strides = array<i32>} : memref<80x16xf32, #tpu.memory_space<vmem>>, vector<1x16xf32>,
    %broadcast_in_dim3A_63 = arith.constant 1.000000e+00 : f32
    %broadcast_in_dim3A_64 = vector.broadcast %broadcast_in_dim3A_63 : f32 to vector<16xf32>
    %swap3A_65 = arith.constant 8 : i32
    %swap3A_66 = arith.index_cast %swap3A_65 : i32 to index
    %swap3A_67 = arith.constant 0 : index
    %swap3A_68 = tpu.vector_load %arg6[%swap3A_66, %swap3A_67] {strides = array<i32>} : memref<80x16xf32, #tpu.memory_space<vmem>>, vector<1x16xf32>,
    %swap3A_69 = vector.shape_cast %swap3A_68 : vector<1x16xf32> to vector<16xf32>
    %swap3A_70 = vector.shape_cast %broadcast_in_dim3A_64 : vector<16xf32> to vector<1x16xf32>
    tpu.vector_store %arg6[%swap3A_66, %swap3A_67], %swap3A_70 {strides = array<i32>} : memref<80x16xf32, #tpu.memory_space<vmem>>, vector<1x16xf32>,
    %broadcast_in_dim3A_71 = arith.constant 1.000000e+00 : f32
    %broadcast_in_dim3A_72 = vector.broadcast %broadcast_in_dim3A_71 : f32 to vector<16xf32>
    %swap3A_73 = arith.constant 9 : i32
    %swap3A_74 = arith.index_cast %swap3A_73 : i32 to index
    %swap3A_75 = arith.constant 0 : index
    %swap3A_76 = tpu.vector_load %arg6[%swap3A_74, %swap3A_75] {strides = array<i32>} : memref<80x16xf32, #tpu.memory_space<vmem>>, vector<1x16xf32>,
    %swap3A_77 = vector.shape_cast %swap3A_76 : vector<1x16xf32> to vector<16xf32>
    %swap3A_78 = vector.shape_cast %broadcast_in_dim3A_72 : vector<16xf32> to vector<1x16xf32>
    tpu.vector_store %arg6[%swap3A_74, %swap3A_75], %swap3A_78 {strides = array<i32>} : memref<80x16xf32, #tpu.memory_space<vmem>>, vector<1x16xf32>,
    %broadcast_in_dim3A_79 = arith.constant 1.000000e+00 : f32
    %broadcast_in_dim3A_80 = vector.broadcast %broadcast_in_dim3A_79 : f32 to vector<16xf32>
    %swap3A_81 = arith.constant 10 : i32
    %swap3A_82 = arith.index_cast %swap3A_81 : i32 to index
    %swap3A_83 = arith.constant 0 : index
    %swap3A_84 = tpu.vector_load %arg6[%swap3A_82, %swap3A_83] {strides = array<i32>} : memref<80x16xf32, #tpu.memory_space<vmem>>, vector<1x16xf32>,
    %swap3A_85 = vector.shape_cast %swap3A_84 : vector<1x16xf32> to vector<16xf32>
    %swap3A_86 = vector.shape_cast %broadcast_in_dim3A_80 : vector<16xf32> to vector<1x16xf32>
    tpu.vector_store %arg6[%swap3A_82, %swap3A_83], %swap3A_86 {strides = array<i32>} : memref<80x16xf32, #tpu.memory_space<vmem>>, vector<1x16xf32>,
    %broadcast_in_dim3A_87 = arith.constant 1.000000e+00 : f32
    %broadcast_in_dim3A_88 = vector.broadcast %broadcast_in_dim3A_87 : f32 to vector<16xf32>
    %swap3A_89 = arith.constant 11 : i32
    %swap3A_90 = arith.index_cast %swap3A_89 : i32 to index
    %swap3A_91 = arith.constant 0 : index
    %swap3A_92 = tpu.vector_load %arg6[%swap3A_90, %swap3A_91] {strides = array<i32>} : memref<80x16xf32, #tpu.memory_space<vmem>>, vector<1x16xf32>,
    %swap3A_93 = vector.shape_cast %swap3A_92 : vector<1x16xf32> to vector<16xf32>
    %swap3A_94 = vector.shape_cast %broadcast_in_dim3A_88 : vector<16xf32> to vector<1x16xf32>
    tpu.vector_store %arg6[%swap3A_90, %swap3A_91], %swap3A_94 {strides = array<i32>} : memref<80x16xf32, #tpu.memory_space<vmem>>, vector<1x16xf32>,
    %broadcast_in_dim3A_95 = arith.constant 1.000000e+00 : f32
    %broadcast_in_dim3A_96 = vector.broadcast %broadcast_in_dim3A_95 : f32 to vector<16xf32>
    %swap3A_97 = arith.constant 12 : i32
    %swap3A_98 = arith.index_cast %swap3A_97 : i32 to index
    %swap3A_99 = arith.constant 0 : index
    %swap3A_100 = tpu.vector_load %arg6[%swap3A_98, %swap3A_99] {strides = array<i32>} : memref<80x16xf32, #tpu.memory_space<vmem>>, vector<1x16xf32>,
    %swap3A_101 = vector.shape_cast %swap3A_100 : vector<1x16xf32> to vector<16xf32>
    %swap3A_102 = vector.shape_cast %broadcast_in_dim3A_96 : vector<16xf32> to vector<1x16xf32>
    tpu.vector_store %arg6[%swap3A_98, %swap3A_99], %swap3A_102 {strides = array<i32>} : memref<80x16xf32, #tpu.memory_space<vmem>>, vector<1x16xf32>,
    %broadcast_in_dim3A_103 = arith.constant 1.000000e+00 : f32
    %broadcast_in_dim3A_104 = vector.broadcast %broadcast_in_dim3A_103 : f32 to vector<16xf32>
    %swap3A_105 = arith.constant 13 : i32
    %swap3A_106 = arith.index_cast %swap3A_105 : i32 to index
    %swap3A_107 = arith.constant 0 : index
    %swap3A_108 = tpu.vector_load %arg6[%swap3A_106, %swap3A_107] {strides = array<i32>} : memref<80x16xf32, #tpu.memory_space<vmem>>, vector<1x16xf32>,
    %swap3A_109 = vector.shape_cast %swap3A_108 : vector<1x16xf32> to vector<16xf32>
    %swap3A_110 = vector.shape_cast %broadcast_in_dim3A_104 : vector<16xf32> to vector<1x16xf32>
    tpu.vector_store %arg6[%swap3A_106, %swap3A_107], %swap3A_110 {strides = array<i32>} : memref<80x16xf32, #tpu.memory_space<vmem>>, vector<1x16xf32>,
    %broadcast_in_dim3A_111 = arith.constant 1.000000e+00 : f32
    %broadcast_in_dim3A_112 = vector.broadcast %broadcast_in_dim3A_111 : f32 to vector<16xf32>
    %swap3A_113 = arith.constant 14 : i32
    %swap3A_114 = arith.index_cast %swap3A_113 : i32 to index
    %swap3A_115 = arith.constant 0 : index
    %swap3A_116 = tpu.vector_load %arg6[%swap3A_114, %swap3A_115] {strides = array<i32>} : memref<80x16xf32, #tpu.memory_space<vmem>>, vector<1x16xf32>,
    %swap3A_117 = vector.shape_cast %swap3A_116 : vector<1x16xf32> to vector<16xf32>
    %swap3A_118 = vector.shape_cast %broadcast_in_dim3A_112 : vector<16xf32> to vector<1x16xf32>
    tpu.vector_store %arg6[%swap3A_114, %swap3A_115], %swap3A_118 {strides = array<i32>} : memref<80x16xf32, #tpu.memory_space<vmem>>, vector<1x16xf32>,
    %broadcast_in_dim3A_119 = arith.constant 1.000000e+00 : f32
    %broadcast_in_dim3A_120 = vector.broadcast %broadcast_in_dim3A_119 : f32 to vector<16xf32>
    %swap3A_121 = arith.constant 15 : i32
    %swap3A_122 = arith.index_cast %swap3A_121 : i32 to index
    %swap3A_123 = arith.constant 0 : index
    %swap3A_124 = tpu.vector_load %arg6[%swap3A_122, %swap3A_123] {strides = array<i32>} : memref<80x16xf32, #tpu.memory_space<vmem>>, vector<1x16xf32>,
    %swap3A_125 = vector.shape_cast %swap3A_124 : vector<1x16xf32> to vector<16xf32>
    %swap3A_126 = vector.shape_cast %broadcast_in_dim3A_120 : vector<16xf32> to vector<1x16xf32>
    tpu.vector_store %arg6[%swap3A_122, %swap3A_123], %swap3A_126 {strides = array<i32>} : memref<80x16xf32, #tpu.memory_space<vmem>>, vector<1x16xf32>,
    %broadcast_in_dim3A_127 = arith.constant 1.000000e+00 : f32
    %broadcast_in_dim3A_128 = vector.broadcast %broadcast_in_dim3A_127 : f32 to vector<16xf32>
    %swap3A_129 = arith.constant 16 : i32
    %swap3A_130 = arith.index_cast %swap3A_129 : i32 to index
    %swap3A_131 = arith.constant 0 : index
    %swap3A_132 = tpu.vector_load %arg6[%swap3A_130, %swap3A_131] {strides = array<i32>} : memref<80x16xf32, #tpu.memory_space<vmem>>, vector<1x16xf32>,
    %swap3A_133 = vector.shape_cast %swap3A_132 : vector<1x16xf32> to vector<16xf32>
    %swap3A_134 = vector.shape_cast %broadcast_in_dim3A_128 : vector<16xf32> to vector<1x16xf32>
    tpu.vector_store %arg6[%swap3A_130, %swap3A_131], %swap3A_134 {strides = array<i32>} : memref<80x16xf32, #tpu.memory_space<vmem>>, vector<1x16xf32>,
    %broadcast_in_dim3A_135 = arith.constant 1.000000e+00 : f32
    %broadcast_in_dim3A_136 = vector.broadcast %broadcast_in_dim3A_135 : f32 to vector<16xf32>
    %swap3A_137 = arith.constant 17 : i32
    %swap3A_138 = arith.index_cast %swap3A_137 : i32 to index
    %swap3A_139 = arith.constant 0 : index
    %swap3A_140 = tpu.vector_load %arg6[%swap3A_138, %swap3A_139] {strides = array<i32>} : memref<80x16xf32, #tpu.memory_space<vmem>>, vector<1x16xf32>,
    %swap3A_141 = vector.shape_cast %swap3A_140 : vector<1x16xf32> to vector<16xf32>
    %swap3A_142 = vector.shape_cast %broadcast_in_dim3A_136 : vector<16xf32> to vector<1x16xf32>
    tpu.vector_store %arg6[%swap3A_138, %swap3A_139], %swap3A_142 {strides = array<i32>} : memref<80x16xf32, #tpu.memory_space<vmem>>, vector<1x16xf32>,
    %broadcast_in_dim3A_143 = arith.constant 1.000000e+00 : f32
    %broadcast_in_dim3A_144 = vector.broadcast %broadcast_in_dim3A_143 : f32 to vector<16xf32>
    %swap3A_145 = arith.constant 18 : i32
    %swap3A_146 = arith.index_cast %swap3A_145 : i32 to index
    %swap3A_147 = arith.constant 0 : index
    %swap3A_148 = tpu.vector_load %arg6[%swap3A_146, %swap3A_147] {strides = array<i32>} : memref<80x16xf32, #tpu.memory_space<vmem>>, vector<1x16xf32>,
    %swap3A_149 = vector.shape_cast %swap3A_148 : vector<1x16xf32> to vector<16xf32>
    %swap3A_150 = vector.shape_cast %broadcast_in_dim3A_144 : vector<16xf32> to vector<1x16xf32>
    tpu.vector_store %arg6[%swap3A_146, %swap3A_147], %swap3A_150 {strides = array<i32>} : memref<80x16xf32, #tpu.memory_space<vmem>>, vector<1x16xf32>,
    %broadcast_in_dim3A_151 = arith.constant 1.000000e+00 : f32
    %broadcast_in_dim3A_152 = vector.broadcast %broadcast_in_dim3A_151 : f32 to vector<16xf32>
    %swap3A_153 = arith.constant 19 : i32
    %swap3A_154 = arith.index_cast %swap3A_153 : i32 to index
    %swap3A_155 = arith.constant 0 : index
    %swap3A_156 = tpu.vector_load %arg6[%swap3A_154, %swap3A_155] {strides = array<i32>} : memref<80x16xf32, #tpu.memory_space<vmem>>, vector<1x16xf32>,
    %swap3A_157 = vector.shape_cast %swap3A_156 : vector<1x16xf32> to vector<16xf32>
    %swap3A_158 = vector.shape_cast %broadcast_in_dim3A_152 : vector<16xf32> to vector<1x16xf32>
    tpu.vector_store %arg6[%swap3A_154, %swap3A_155], %swap3A_158 {strides = array<i32>} : memref<80x16xf32, #tpu.memory_space<vmem>>, vector<1x16xf32>,
    %broadcast_in_dim3A_159 = arith.constant 1.000000e+00 : f32
    %broadcast_in_dim3A_160 = vector.broadcast %broadcast_in_dim3A_159 : f32 to vector<16xf32>
    %swap3A_161 = arith.constant 20 : i32
    %swap3A_162 = arith.index_cast %swap3A_161 : i32 to index
    %swap3A_163 = arith.constant 0 : index
    %swap3A_164 = tpu.vector_load %arg6[%swap3A_162, %swap3A_163] {strides = array<i32>} : memref<80x16xf32, #tpu.memory_space<vmem>>, vector<1x16xf32>,
    %swap3A_165 = vector.shape_cast %swap3A_164 : vector<1x16xf32> to vector<16xf32>
    %swap3A_166 = vector.shape_cast %broadcast_in_dim3A_160 : vector<16xf32> to vector<1x16xf32>
    tpu.vector_store %arg6[%swap3A_162, %swap3A_163], %swap3A_166 {strides = array<i32>} : memref<80x16xf32, #tpu.memory_space<vmem>>, vector<1x16xf32>,
    %broadcast_in_dim3A_167 = arith.constant 1.000000e+00 : f32
    %broadcast_in_dim3A_168 = vector.broadcast %broadcast_in_dim3A_167 : f32 to vector<16xf32>
    %swap3A_169 = arith.constant 21 : i32
    %swap3A_170 = arith.index_cast %swap3A_169 : i32 to index
    %swap3A_171 = arith.constant 0 : index
    %swap3A_172 = tpu.vector_load %arg6[%swap3A_170, %swap3A_171] {strides = array<i32>} : memref<80x16xf32, #tpu.memory_space<vmem>>, vector<1x16xf32>,
    %swap3A_173 = vector.shape_cast %swap3A_172 : vector<1x16xf32> to vector<16xf32>
    %swap3A_174 = vector.shape_cast %broadcast_in_dim3A_168 : vector<16xf32> to vector<1x16xf32>
    tpu.vector_store %arg6[%swap3A_170, %swap3A_171], %swap3A_174 {strides = array<i32>} : memref<80x16xf32, #tpu.memory_space<vmem>>, vector<1x16xf32>,
    %broadcast_in_dim3A_175 = arith.constant 1.000000e+00 : f32
    %broadcast_in_dim3A_176 = vector.broadcast %broadcast_in_dim3A_175 : f32 to vector<16xf32>
    %swap3A_177 = arith.constant 22 : i32
    %swap3A_178 = arith.index_cast %swap3A_177 : i32 to index
    %swap3A_179 = arith.constant 0 : index
    %swap3A_180 = tpu.vector_load %arg6[%swap3A_178, %swap3A_179] {strides = array<i32>} : memref<80x16xf32, #tpu.memory_space<vmem>>, vector<1x16xf32>,
    %swap3A_181 = vector.shape_cast %swap3A_180 : vector<1x16xf32> to vector<16xf32>
    %swap3A_182 = vector.shape_cast %broadcast_in_dim3A_176 : vector<16xf32> to vector<1x16xf32>
    tpu.vector_store %arg6[%swap3A_178, %swap3A_179], %swap3A_182 {strides = array<i32>} : memref<80x16xf32, #tpu.memory_space<vmem>>, vector<1x16xf32>,
    %broadcast_in_dim3A_183 = arith.constant 1.000000e+00 : f32
    %broadcast_in_dim3A_184 = vector.broadcast %broadcast_in_dim3A_183 : f32 to vector<16xf32>
    %swap3A_185 = arith.constant 23 : i32
    %swap3A_186 = arith.index_cast %swap3A_185 : i32 to index
    %swap3A_187 = arith.constant 0 : index
    %swap3A_188 = tpu.vector_load %arg6[%swap3A_186, %swap3A_187] {strides = array<i32>} : memref<80x16xf32, #tpu.memory_space<vmem>>, vector<1x16xf32>,
    %swap3A_189 = vector.shape_cast %swap3A_188 : vector<1x16xf32> to vector<16xf32>
    %swap3A_190 = vector.shape_cast %broadcast_in_dim3A_184 : vector<16xf32> to vector<1x16xf32>
    tpu.vector_store %arg6[%swap3A_186, %swap3A_187], %swap3A_190 {strides = array<i32>} : memref<80x16xf32, #tpu.memory_space<vmem>>, vector<1x16xf32>,
    %broadcast_in_dim3A_191 = arith.constant 1.000000e+00 : f32
    %broadcast_in_dim3A_192 = vector.broadcast %broadcast_in_dim3A_191 : f32 to vector<16xf32>
    %swap3A_193 = arith.constant 24 : i32
    %swap3A_194 = arith.index_cast %swap3A_193 : i32 to index
    %swap3A_195 = arith.constant 0 : index
    %swap3A_196 = tpu.vector_load %arg6[%swap3A_194, %swap3A_195] {strides = array<i32>} : memref<80x16xf32, #tpu.memory_space<vmem>>, vector<1x16xf32>,
    %swap3A_197 = vector.shape_cast %swap3A_196 : vector<1x16xf32> to vector<16xf32>
    %swap3A_198 = vector.shape_cast %broadcast_in_dim3A_192 : vector<16xf32> to vector<1x16xf32>
    tpu.vector_store %arg6[%swap3A_194, %swap3A_195], %swap3A_198 {strides = array<i32>} : memref<80x16xf32, #tpu.memory_space<vmem>>, vector<1x16xf32>,
    %broadcast_in_dim3A_199 = arith.constant 1.000000e+00 : f32
    %broadcast_in_dim3A_200 = vector.broadcast %broadcast_in_dim3A_199 : f32 to vector<16xf32>
    %swap3A_201 = arith.constant 25 : i32
    %swap3A_202 = arith.index_cast %swap3A_201 : i32 to index
    %swap3A_203 = arith.constant 0 : index
    %swap3A_204 = tpu.vector_load %arg6[%swap3A_202, %swap3A_203] {strides = array<i32>} : memref<80x16xf32, #tpu.memory_space<vmem>>, vector<1x16xf32>,
    %swap3A_205 = vector.shape_cast %swap3A_204 : vector<1x16xf32> to vector<16xf32>
    %swap3A_206 = vector.shape_cast %broadcast_in_dim3A_200 : vector<16xf32> to vector<1x16xf32>
    tpu.vector_store %arg6[%swap3A_202, %swap3A_203], %swap3A_206 {strides = array<i32>} : memref<80x16xf32, #tpu.memory_space<vmem>>, vector<1x16xf32>,
    %broadcast_in_dim3A_207 = arith.constant 1.000000e+00 : f32
    %broadcast_in_dim3A_208 = vector.broadcast %broadcast_in_dim3A_207 : f32 to vector<16xf32>
    %swap3A_209 = arith.constant 26 : i32
    %swap3A_210 = arith.index_cast %swap3A_209 : i32 to index
    %swap3A_211 = arith.constant 0 : index
    %swap3A_212 = tpu.vector_load %arg6[%swap3A_210, %swap3A_211] {strides = array<i32>} : memref<80x16xf32, #tpu.memory_space<vmem>>, vector<1x16xf32>,
    %swap3A_213 = vector.shape_cast %swap3A_212 : vector<1x16xf32> to vector<16xf32>
    %swap3A_214 = vector.shape_cast %broadcast_in_dim3A_208 : vector<16xf32> to vector<1x16xf32>
    tpu.vector_store %arg6[%swap3A_210, %swap3A_211], %swap3A_214 {strides = array<i32>} : memref<80x16xf32, #tpu.memory_space<vmem>>, vector<1x16xf32>,
    %broadcast_in_dim3A_215 = arith.constant 1.000000e+00 : f32
    %broadcast_in_dim3A_216 = vector.broadcast %broadcast_in_dim3A_215 : f32 to vector<16xf32>
    %swap3A_217 = arith.constant 27 : i32
    %swap3A_218 = arith.index_cast %swap3A_217 : i32 to index
    %swap3A_219 = arith.constant 0 : index
    %swap3A_220 = tpu.vector_load %arg6[%swap3A_218, %swap3A_219] {strides = array<i32>} : memref<80x16xf32, #tpu.memory_space<vmem>>, vector<1x16xf32>,
    %swap3A_221 = vector.shape_cast %swap3A_220 : vector<1x16xf32> to vector<16xf32>
    %swap3A_222 = vector.shape_cast %broadcast_in_dim3A_216 : vector<16xf32> to vector<1x16xf32>
    tpu.vector_store %arg6[%swap3A_218, %swap3A_219], %swap3A_222 {strides = array<i32>} : memref<80x16xf32, #tpu.memory_space<vmem>>, vector<1x16xf32>,
    %broadcast_in_dim3A_223 = arith.constant 1.000000e+00 : f32
    %broadcast_in_dim3A_224 = vector.broadcast %broadcast_in_dim3A_223 : f32 to vector<16xf32>
    %swap3A_225 = arith.constant 28 : i32
    %swap3A_226 = arith.index_cast %swap3A_225 : i32 to index
    %swap3A_227 = arith.constant 0 : index
    %swap3A_228 = tpu.vector_load %arg6[%swap3A_226, %swap3A_227] {strides = array<i32>} : memref<80x16xf32, #tpu.memory_space<vmem>>, vector<1x16xf32>,
    %swap3A_229 = vector.shape_cast %swap3A_228 : vector<1x16xf32> to vector<16xf32>
    %swap3A_230 = vector.shape_cast %broadcast_in_dim3A_224 : vector<16xf32> to vector<1x16xf32>
    tpu.vector_store %arg6[%swap3A_226, %swap3A_227], %swap3A_230 {strides = array<i32>} : memref<80x16xf32, #tpu.memory_space<vmem>>, vector<1x16xf32>,
    %broadcast_in_dim3A_231 = arith.constant 1.000000e+00 : f32
    %broadcast_in_dim3A_232 = vector.broadcast %broadcast_in_dim3A_231 : f32 to vector<16xf32>
    %swap3A_233 = arith.constant 29 : i32
    %swap3A_234 = arith.index_cast %swap3A_233 : i32 to index
    %swap3A_235 = arith.constant 0 : index
    %swap3A_236 = tpu.vector_load %arg6[%swap3A_234, %swap3A_235] {strides = array<i32>} : memref<80x16xf32, #tpu.memory_space<vmem>>, vector<1x16xf32>,
    %swap3A_237 = vector.shape_cast %swap3A_236 : vector<1x16xf32> to vector<16xf32>
    %swap3A_238 = vector.shape_cast %broadcast_in_dim3A_232 : vector<16xf32> to vector<1x16xf32>
    tpu.vector_store %arg6[%swap3A_234, %swap3A_235], %swap3A_238 {strides = array<i32>} : memref<80x16xf32, #tpu.memory_space<vmem>>, vector<1x16xf32>,
    %broadcast_in_dim3A_239 = arith.constant 1.000000e+00 : f32
    %broadcast_in_dim3A_240 = vector.broadcast %broadcast_in_dim3A_239 : f32 to vector<16xf32>
    %swap3A_241 = arith.constant 30 : i32
    %swap3A_242 = arith.index_cast %swap3A_241 : i32 to index
    %swap3A_243 = arith.constant 0 : index
    %swap3A_244 = tpu.vector_load %arg6[%swap3A_242, %swap3A_243] {strides = array<i32>} : memref<80x16xf32, #tpu.memory_space<vmem>>, vector<1x16xf32>,
    %swap3A_245 = vector.shape_cast %swap3A_244 : vector<1x16xf32> to vector<16xf32>
    %swap3A_246 = vector.shape_cast %broadcast_in_dim3A_240 : vector<16xf32> to vector<1x16xf32>
    tpu.vector_store %arg6[%swap3A_242, %swap3A_243], %swap3A_246 {strides = array<i32>} : memref<80x16xf32, #tpu.memory_space<vmem>>, vector<1x16xf32>,
    %broadcast_in_dim3A_247 = arith.constant 1.000000e+00 : f32
    %broadcast_in_dim3A_248 = vector.broadcast %broadcast_in_dim3A_247 : f32 to vector<16xf32>
    %swap3A_249 = arith.constant 31 : i32
    %swap3A_250 = arith.index_cast %swap3A_249 : i32 to index
    %swap3A_251 = arith.constant 0 : index
    %swap3A_252 = tpu.vector_load %arg6[%swap3A_250, %swap3A_251] {strides = array<i32>} : memref<80x16xf32, #tpu.memory_space<vmem>>, vector<1x16xf32>,
    %swap3A_253 = vector.shape_cast %swap3A_252 : vector<1x16xf32> to vector<16xf32>
    %swap3A_254 = vector.shape_cast %broadcast_in_dim3A_248 : vector<16xf32> to vector<1x16xf32>
    tpu.vector_store %arg6[%swap3A_250, %swap3A_251], %swap3A_254 {strides = array<i32>} : memref<80x16xf32, #tpu.memory_space<vmem>>, vector<1x16xf32>,
    %broadcast_in_dim3A_255 = arith.constant 1.000000e+00 : f32
    %broadcast_in_dim3A_256 = vector.broadcast %broadcast_in_dim3A_255 : f32 to vector<16xf32>
    %swap3A_257 = arith.constant 32 : i32
    %swap3A_258 = arith.index_cast %swap3A_257 : i32 to index
    %swap3A_259 = arith.constant 0 : index
    %swap3A_260 = tpu.vector_load %arg6[%swap3A_258, %swap3A_259] {strides = array<i32>} : memref<80x16xf32, #tpu.memory_space<vmem>>, vector<1x16xf32>,
    %swap3A_261 = vector.shape_cast %swap3A_260 : vector<1x16xf32> to vector<16xf32>
    %swap3A_262 = vector.shape_cast %broadcast_in_dim3A_256 : vector<16xf32> to vector<1x16xf32>
    tpu.vector_store %arg6[%swap3A_258, %swap3A_259], %swap3A_262 {strides = array<i32>} : memref<80x16xf32, #tpu.memory_space<vmem>>, vector<1x16xf32>,
    %broadcast_in_dim3A_263 = arith.constant 1.000000e+00 : f32
    %broadcast_in_dim3A_264 = vector.broadcast %broadcast_in_dim3A_263 : f32 to vector<16xf32>
    %swap3A_265 = arith.constant 33 : i32
    %swap3A_266 = arith.index_cast %swap3A_265 : i32 to index
    %swap3A_267 = arith.constant 0 : index
    %swap3A_268 = tpu.vector_load %arg6[%swap3A_266, %swap3A_267] {strides = array<i32>} : memref<80x16xf32, #tpu.memory_space<vmem>>, vector<1x16xf32>,
    %swap3A_269 = vector.shape_cast %swap3A_268 : vector<1x16xf32> to vector<16xf32>
    %swap3A_270 = vector.shape_cast %broadcast_in_dim3A_264 : vector<16xf32> to vector<1x16xf32>
    tpu.vector_store %arg6[%swap3A_266, %swap3A_267], %swap3A_270 {strides = array<i32>} : memref<80x16xf32, #tpu.memory_space<vmem>>, vector<1x16xf32>,
    %broadcast_in_dim3A_271 = arith.constant 1.000000e+00 : f32
    %broadcast_in_dim3A_272 = vector.broadcast %broadcast_in_dim3A_271 : f32 to vector<16xf32>
    %swap3A_273 = arith.constant 34 : i32
    %swap3A_274 = arith.index_cast %swap3A_273 : i32 to index
    %swap3A_275 = arith.constant 0 : index
    %swap3A_276 = tpu.vector_load %arg6[%swap3A_274, %swap3A_275] {strides = array<i32>} : memref<80x16xf32, #tpu.memory_space<vmem>>, vector<1x16xf32>,
    %swap3A_277 = vector.shape_cast %swap3A_276 : vector<1x16xf32> to vector<16xf32>
    %swap3A_278 = vector.shape_cast %broadcast_in_dim3A_272 : vector<16xf32> to vector<1x16xf32>
    tpu.vector_store %arg6[%swap3A_274, %swap3A_275], %swap3A_278 {strides = array<i32>} : memref<80x16xf32, #tpu.memory_space<vmem>>, vector<1x16xf32>,
    %broadcast_in_dim3A_279 = arith.constant 1.000000e+00 : f32
    %broadcast_in_dim3A_280 = vector.broadcast %broadcast_in_dim3A_279 : f32 to vector<16xf32>
    %swap3A_281 = arith.constant 35 : i32
    %swap3A_282 = arith.index_cast %swap3A_281 : i32 to index
    %swap3A_283 = arith.constant 0 : index
    %swap3A_284 = tpu.vector_load %arg6[%swap3A_282, %swap3A_283] {strides = array<i32>} : memref<80x16xf32, #tpu.memory_space<vmem>>, vector<1x16xf32>,
    %swap3A_285 = vector.shape_cast %swap3A_284 : vector<1x16xf32> to vector<16xf32>
    %swap3A_286 = vector.shape_cast %broadcast_in_dim3A_280 : vector<16xf32> to vector<1x16xf32>
    tpu.vector_store %arg6[%swap3A_282, %swap3A_283], %swap3A_286 {strides = array<i32>} : memref<80x16xf32, #tpu.memory_space<vmem>>, vector<1x16xf32>,
    %broadcast_in_dim3A_287 = arith.constant 1.000000e+00 : f32
    %broadcast_in_dim3A_288 = vector.broadcast %broadcast_in_dim3A_287 : f32 to vector<16xf32>
    %swap3A_289 = arith.constant 36 : i32
    %swap3A_290 = arith.index_cast %swap3A_289 : i32 to index
    %swap3A_291 = arith.constant 0 : index
    %swap3A_292 = tpu.vector_load %arg6[%swap3A_290, %swap3A_291] {strides = array<i32>} : memref<80x16xf32, #tpu.memory_space<vmem>>, vector<1x16xf32>,
    %swap3A_293 = vector.shape_cast %swap3A_292 : vector<1x16xf32> to vector<16xf32>
    %swap3A_294 = vector.shape_cast %broadcast_in_dim3A_288 : vector<16xf32> to vector<1x16xf32>
    tpu.vector_store %arg6[%swap3A_290, %swap3A_291], %swap3A_294 {strides = array<i32>} : memref<80x16xf32, #tpu.memory_space<vmem>>, vector<1x16xf32>,
    %broadcast_in_dim3A_295 = arith.constant 1.000000e+00 : f32
    %broadcast_in_dim3A_296 = vector.broadcast %broadcast_in_dim3A_295 : f32 to vector<16xf32>
    %swap3A_297 = arith.constant 37 : i32
    %swap3A_298 = arith.index_cast %swap3A_297 : i32 to index
    %swap3A_299 = arith.constant 0 : index
    %swap3A_300 = tpu.vector_load %arg6[%swap3A_298, %swap3A_299] {strides = array<i32>} : memref<80x16xf32, #tpu.memory_space<vmem>>, vector<1x16xf32>,
    %swap3A_301 = vector.shape_cast %swap3A_300 : vector<1x16xf32> to vector<16xf32>
    %swap3A_302 = vector.shape_cast %broadcast_in_dim3A_296 : vector<16xf32> to vector<1x16xf32>
    tpu.vector_store %arg6[%swap3A_298, %swap3A_299], %swap3A_302 {strides = array<i32>} : memref<80x16xf32, #tpu.memory_space<vmem>>, vector<1x16xf32>,
    %broadcast_in_dim3A_303 = arith.constant 1.000000e+00 : f32
    %broadcast_in_dim3A_304 = vector.broadcast %broadcast_in_dim3A_303 : f32 to vector<16xf32>
    %swap3A_305 = arith.constant 38 : i32
    %swap3A_306 = arith.index_cast %swap3A_305 : i32 to index
    %swap3A_307 = arith.constant 0 : index
    %swap3A_308 = tpu.vector_load %arg6[%swap3A_306, %swap3A_307] {strides = array<i32>} : memref<80x16xf32, #tpu.memory_space<vmem>>, vector<1x16xf32>,
    %swap3A_309 = vector.shape_cast %swap3A_308 : vector<1x16xf32> to vector<16xf32>
    %swap3A_310 = vector.shape_cast %broadcast_in_dim3A_304 : vector<16xf32> to vector<1x16xf32>
    tpu.vector_store %arg6[%swap3A_306, %swap3A_307], %swap3A_310 {strides = array<i32>} : memref<80x16xf32, #tpu.memory_space<vmem>>, vector<1x16xf32>,
    %broadcast_in_dim3A_311 = arith.constant 1.000000e+00 : f32
    %broadcast_in_dim3A_312 = vector.broadcast %broadcast_in_dim3A_311 : f32 to vector<16xf32>
    %swap3A_313 = arith.constant 39 : i32
    %swap3A_314 = arith.index_cast %swap3A_313 : i32 to index
    %swap3A_315 = arith.constant 0 : index
    %swap3A_316 = tpu.vector_load %arg6[%swap3A_314, %swap3A_315] {strides = array<i32>} : memref<80x16xf32, #tpu.memory_space<vmem>>, vector<1x16xf32>,
    %swap3A_317 = vector.shape_cast %swap3A_316 : vector<1x16xf32> to vector<16xf32>
    %swap3A_318 = vector.shape_cast %broadcast_in_dim3A_312 : vector<16xf32> to vector<1x16xf32>
    tpu.vector_store %arg6[%swap3A_314, %swap3A_315], %swap3A_318 {strides = array<i32>} : memref<80x16xf32, #tpu.memory_space<vmem>>, vector<1x16xf32>,
    %broadcast_in_dim3A_319 = arith.constant 1.000000e+00 : f32
    %broadcast_in_dim3A_320 = vector.broadcast %broadcast_in_dim3A_319 : f32 to vector<16xf32>
    %swap3A_321 = arith.constant 40 : i32
    %swap3A_322 = arith.index_cast %swap3A_321 : i32 to index
    %swap3A_323 = arith.constant 0 : index
    %swap3A_324 = tpu.vector_load %arg6[%swap3A_322, %swap3A_323] {strides = array<i32>} : memref<80x16xf32, #tpu.memory_space<vmem>>, vector<1x16xf32>,
    %swap3A_325 = vector.shape_cast %swap3A_324 : vector<1x16xf32> to vector<16xf32>
    %swap3A_326 = vector.shape_cast %broadcast_in_dim3A_320 : vector<16xf32> to vector<1x16xf32>
    tpu.vector_store %arg6[%swap3A_322, %swap3A_323], %swap3A_326 {strides = array<i32>} : memref<80x16xf32, #tpu.memory_space<vmem>>, vector<1x16xf32>,
    %broadcast_in_dim3A_327 = arith.constant 1.000000e+00 : f32
    %broadcast_in_dim3A_328 = vector.broadcast %broadcast_in_dim3A_327 : f32 to vector<16xf32>
    %swap3A_329 = arith.constant 41 : i32
    %swap3A_330 = arith.index_cast %swap3A_329 : i32 to index
    %swap3A_331 = arith.constant 0 : index
    %swap3A_332 = tpu.vector_load %arg6[%swap3A_330, %swap3A_331] {strides = array<i32>} : memref<80x16xf32, #tpu.memory_space<vmem>>, vector<1x16xf32>,
    %swap3A_333 = vector.shape_cast %swap3A_332 : vector<1x16xf32> to vector<16xf32>
    %swap3A_334 = vector.shape_cast %broadcast_in_dim3A_328 : vector<16xf32> to vector<1x16xf32>
    tpu.vector_store %arg6[%swap3A_330, %swap3A_331], %swap3A_334 {strides = array<i32>} : memref<80x16xf32, #tpu.memory_space<vmem>>, vector<1x16xf32>,
    %broadcast_in_dim3A_335 = arith.constant 1.000000e+00 : f32
    %broadcast_in_dim3A_336 = vector.broadcast %broadcast_in_dim3A_335 : f32 to vector<16xf32>
    %swap3A_337 = arith.constant 42 : i32
    %swap3A_338 = arith.index_cast %swap3A_337 : i32 to index
    %swap3A_339 = arith.constant 0 : index
    %swap3A_340 = tpu.vector_load %arg6[%swap3A_338, %swap3A_339] {strides = array<i32>} : memref<80x16xf32, #tpu.memory_space<vmem>>, vector<1x16xf32>,
    %swap3A_341 = vector.shape_cast %swap3A_340 : vector<1x16xf32> to vector<16xf32>
    %swap3A_342 = vector.shape_cast %broadcast_in_dim3A_336 : vector<16xf32> to vector<1x16xf32>
    tpu.vector_store %arg6[%swap3A_338, %swap3A_339], %swap3A_342 {strides = array<i32>} : memref<80x16xf32, #tpu.memory_space<vmem>>, vector<1x16xf32>,
    %broadcast_in_dim3A_343 = arith.constant 1.000000e+00 : f32
    %broadcast_in_dim3A_344 = vector.broadcast %broadcast_in_dim3A_343 : f32 to vector<16xf32>
    %swap3A_345 = arith.constant 43 : i32
    %swap3A_346 = arith.index_cast %swap3A_345 : i32 to index
    %swap3A_347 = arith.constant 0 : index
    %swap3A_348 = tpu.vector_load %arg6[%swap3A_346, %swap3A_347] {strides = array<i32>} : memref<80x16xf32, #tpu.memory_space<vmem>>, vector<1x16xf32>,
    %swap3A_349 = vector.shape_cast %swap3A_348 : vector<1x16xf32> to vector<16xf32>
    %swap3A_350 = vector.shape_cast %broadcast_in_dim3A_344 : vector<16xf32> to vector<1x16xf32>
    tpu.vector_store %arg6[%swap3A_346, %swap3A_347], %swap3A_350 {strides = array<i32>} : memref<80x16xf32, #tpu.memory_space<vmem>>, vector<1x16xf32>,
    %broadcast_in_dim3A_351 = arith.constant 1.000000e+00 : f32
    %broadcast_in_dim3A_352 = vector.broadcast %broadcast_in_dim3A_351 : f32 to vector<16xf32>
    %swap3A_353 = arith.constant 44 : i32
    %swap3A_354 = arith.index_cast %swap3A_353 : i32 to index
    %swap3A_355 = arith.constant 0 : index
    %swap3A_356 = tpu.vector_load %arg6[%swap3A_354, %swap3A_355] {strides = array<i32>} : memref<80x16xf32, #tpu.memory_space<vmem>>, vector<1x16xf32>,
    %swap3A_357 = vector.shape_cast %swap3A_356 : vector<1x16xf32> to vector<16xf32>
    %swap3A_358 = vector.shape_cast %broadcast_in_dim3A_352 : vector<16xf32> to vector<1x16xf32>
    tpu.vector_store %arg6[%swap3A_354, %swap3A_355], %swap3A_358 {strides = array<i32>} : memref<80x16xf32, #tpu.memory_space<vmem>>, vector<1x16xf32>,
    %broadcast_in_dim3A_359 = arith.constant 1.000000e+00 : f32
    %broadcast_in_dim3A_360 = vector.broadcast %broadcast_in_dim3A_359 : f32 to vector<16xf32>
    %swap3A_361 = arith.constant 45 : i32
    %swap3A_362 = arith.index_cast %swap3A_361 : i32 to index
    %swap3A_363 = arith.constant 0 : index
    %swap3A_364 = tpu.vector_load %arg6[%swap3A_362, %swap3A_363] {strides = array<i32>} : memref<80x16xf32, #tpu.memory_space<vmem>>, vector<1x16xf32>,
    %swap3A_365 = vector.shape_cast %swap3A_364 : vector<1x16xf32> to vector<16xf32>
    %swap3A_366 = vector.shape_cast %broadcast_in_dim3A_360 : vector<16xf32> to vector<1x16xf32>
    tpu.vector_store %arg6[%swap3A_362, %swap3A_363], %swap3A_366 {strides = array<i32>} : memref<80x16xf32, #tpu.memory_space<vmem>>, vector<1x16xf32>,
    %broadcast_in_dim3A_367 = arith.constant 1.000000e+00 : f32
    %broadcast_in_dim3A_368 = vector.broadcast %broadcast_in_dim3A_367 : f32 to vector<16xf32>
    %swap3A_369 = arith.constant 46 : i32
    %swap3A_370 = arith.index_cast %swap3A_369 : i32 to index
    %swap3A_371 = arith.constant 0 : index
    %swap3A_372 = tpu.vector_load %arg6[%swap3A_370, %swap3A_371] {strides = array<i32>} : memref<80x16xf32, #tpu.memory_space<vmem>>, vector<1x16xf32>,
    %swap3A_373 = vector.shape_cast %swap3A_372 : vector<1x16xf32> to vector<16xf32>
    %swap3A_374 = vector.shape_cast %broadcast_in_dim3A_368 : vector<16xf32> to vector<1x16xf32>
    tpu.vector_store %arg6[%swap3A_370, %swap3A_371], %swap3A_374 {strides = array<i32>} : memref<80x16xf32, #tpu.memory_space<vmem>>, vector<1x16xf32>,
    %broadcast_in_dim3A_375 = arith.constant 1.000000e+00 : f32
    %broadcast_in_dim3A_376 = vector.broadcast %broadcast_in_dim3A_375 : f32 to vector<16xf32>
    %swap3A_377 = arith.constant 47 : i32
    %swap3A_378 = arith.index_cast %swap3A_377 : i32 to index
    %swap3A_379 = arith.constant 0 : index
    %swap3A_380 = tpu.vector_load %arg6[%swap3A_378, %swap3A_379] {strides = array<i32>} : memref<80x16xf32, #tpu.memory_space<vmem>>, vector<1x16xf32>,
    %swap3A_381 = vector.shape_cast %swap3A_380 : vector<1x16xf32> to vector<16xf32>
    %swap3A_382 = vector.shape_cast %broadcast_in_dim3A_376 : vector<16xf32> to vector<1x16xf32>
    tpu.vector_store %arg6[%swap3A_378, %swap3A_379], %swap3A_382 {strides = array<i32>} : memref<80x16xf32, #tpu.memory_space<vmem>>, vector<1x16xf32>,
    %broadcast_in_dim3A_383 = arith.constant 1.000000e+00 : f32
    %broadcast_in_dim3A_384 = vector.broadcast %broadcast_in_dim3A_383 : f32 to vector<16xf32>
    %swap3A_385 = arith.constant 48 : i32
    %swap3A_386 = arith.index_cast %swap3A_385 : i32 to index
    %swap3A_387 = arith.constant 0 : index
    %swap3A_388 = tpu.vector_load %arg6[%swap3A_386, %swap3A_387] {strides = array<i32>} : memref<80x16xf32, #tpu.memory_space<vmem>>, vector<1x16xf32>,
    %swap3A_389 = vector.shape_cast %swap3A_388 : vector<1x16xf32> to vector<16xf32>
    %swap3A_390 = vector.shape_cast %broadcast_in_dim3A_384 : vector<16xf32> to vector<1x16xf32>
    tpu.vector_store %arg6[%swap3A_386, %swap3A_387], %swap3A_390 {strides = array<i32>} : memref<80x16xf32, #tpu.memory_space<vmem>>, vector<1x16xf32>,
    %broadcast_in_dim3A_391 = arith.constant 1.000000e+00 : f32
    %broadcast_in_dim3A_392 = vector.broadcast %broadcast_in_dim3A_391 : f32 to vector<16xf32>
    %swap3A_393 = arith.constant 49 : i32
    %swap3A_394 = arith.index_cast %swap3A_393 : i32 to index
    %swap3A_395 = arith.constant 0 : index
    %swap3A_396 = tpu.vector_load %arg6[%swap3A_394, %swap3A_395] {strides = array<i32>} : memref<80x16xf32, #tpu.memory_space<vmem>>, vector<1x16xf32>,
    %swap3A_397 = vector.shape_cast %swap3A_396 : vector<1x16xf32> to vector<16xf32>
    %swap3A_398 = vector.shape_cast %broadcast_in_dim3A_392 : vector<16xf32> to vector<1x16xf32>
    tpu.vector_store %arg6[%swap3A_394, %swap3A_395], %swap3A_398 {strides = array<i32>} : memref<80x16xf32, #tpu.memory_space<vmem>>, vector<1x16xf32>,
    %broadcast_in_dim3A_399 = arith.constant 1.000000e+00 : f32
    %broadcast_in_dim3A_400 = vector.broadcast %broadcast_in_dim3A_399 : f32 to vector<16xf32>
    %swap3A_401 = arith.constant 50 : i32
    %swap3A_402 = arith.index_cast %swap3A_401 : i32 to index
    %swap3A_403 = arith.constant 0 : index
    %swap3A_404 = tpu.vector_load %arg6[%swap3A_402, %swap3A_403] {strides = array<i32>} : memref<80x16xf32, #tpu.memory_space<vmem>>, vector<1x16xf32>,
    %swap3A_405 = vector.shape_cast %swap3A_404 : vector<1x16xf32> to vector<16xf32>
    %swap3A_406 = vector.shape_cast %broadcast_in_dim3A_400 : vector<16xf32> to vector<1x16xf32>
    tpu.vector_store %arg6[%swap3A_402, %swap3A_403], %swap3A_406 {strides = array<i32>} : memref<80x16xf32, #tpu.memory_space<vmem>>, vector<1x16xf32>,
    %broadcast_in_dim3A_407 = arith.constant 1.000000e+00 : f32
    %broadcast_in_dim3A_408 = vector.broadcast %broadcast_in_dim3A_407 : f32 to vector<16xf32>
    %swap3A_409 = arith.constant 51 : i32
    %swap3A_410 = arith.index_cast %swap3A_409 : i32 to index
    %swap3A_411 = arith.constant 0 : index
    %swap3A_412 = tpu.vector_load %arg6[%swap3A_410, %swap3A_411] {strides = array<i32>} : memref<80x16xf32, #tpu.memory_space<vmem>>, vector<1x16xf32>,
    %swap3A_413 = vector.shape_cast %swap3A_412 : vector<1x16xf32> to vector<16xf32>
    %swap3A_414 = vector.shape_cast %broadcast_in_dim3A_408 : vector<16xf32> to vector<1x16xf32>
    tpu.vector_store %arg6[%swap3A_410, %swap3A_411], %swap3A_414 {strides = array<i32>} : memref<80x16xf32, #tpu.memory_space<vmem>>, vector<1x16xf32>,
    %broadcast_in_dim3A_415 = arith.constant 1.000000e+00 : f32
    %broadcast_in_dim3A_416 = vector.broadcast %broadcast_in_dim3A_415 : f32 to vector<16xf32>
    %swap3A_417 = arith.constant 52 : i32
    %swap3A_418 = arith.index_cast %swap3A_417 : i32 to index
    %swap3A_419 = arith.constant 0 : index
    %swap3A_420 = tpu.vector_load %arg6[%swap3A_418, %swap3A_419] {strides = array<i32>} : memref<80x16xf32, #tpu.memory_space<vmem>>, vector<1x16xf32>,
    %swap3A_421 = vector.shape_cast %swap3A_420 : vector<1x16xf32> to vector<16xf32>
    %swap3A_422 = vector.shape_cast %broadcast_in_dim3A_416 : vector<16xf32> to vector<1x16xf32>
    tpu.vector_store %arg6[%swap3A_418, %swap3A_419], %swap3A_422 {strides = array<i32>} : memref<80x16xf32, #tpu.memory_space<vmem>>, vector<1x16xf32>,
    %broadcast_in_dim3A_423 = arith.constant 1.000000e+00 : f32
    %broadcast_in_dim3A_424 = vector.broadcast %broadcast_in_dim3A_423 : f32 to vector<16xf32>
    %swap3A_425 = arith.constant 53 : i32
    %swap3A_426 = arith.index_cast %swap3A_425 : i32 to index
    %swap3A_427 = arith.constant 0 : index
    %swap3A_428 = tpu.vector_load %arg6[%swap3A_426, %swap3A_427] {strides = array<i32>} : memref<80x16xf32, #tpu.memory_space<vmem>>, vector<1x16xf32>,
    %swap3A_429 = vector.shape_cast %swap3A_428 : vector<1x16xf32> to vector<16xf32>
    %swap3A_430 = vector.shape_cast %broadcast_in_dim3A_424 : vector<16xf32> to vector<1x16xf32>
    tpu.vector_store %arg6[%swap3A_426, %swap3A_427], %swap3A_430 {strides = array<i32>} : memref<80x16xf32, #tpu.memory_space<vmem>>, vector<1x16xf32>,
    %broadcast_in_dim3A_431 = arith.constant 1.000000e+00 : f32
    %broadcast_in_dim3A_432 = vector.broadcast %broadcast_in_dim3A_431 : f32 to vector<16xf32>
    %swap3A_433 = arith.constant 54 : i32
    %swap3A_434 = arith.index_cast %swap3A_433 : i32 to index
    %swap3A_435 = arith.constant 0 : index
    %swap3A_436 = tpu.vector_load %arg6[%swap3A_434, %swap3A_435] {strides = array<i32>} : memref<80x16xf32, #tpu.memory_space<vmem>>, vector<1x16xf32>,
    %swap3A_437 = vector.shape_cast %swap3A_436 : vector<1x16xf32> to vector<16xf32>
    %swap3A_438 = vector.shape_cast %broadcast_in_dim3A_432 : vector<16xf32> to vector<1x16xf32>
    tpu.vector_store %arg6[%swap3A_434, %swap3A_435], %swap3A_438 {strides = array<i32>} : memref<80x16xf32, #tpu.memory_space<vmem>>, vector<1x16xf32>,
    %broadcast_in_dim3A_439 = arith.constant 1.000000e+00 : f32
    %broadcast_in_dim3A_440 = vector.broadcast %broadcast_in_dim3A_439 : f32 to vector<16xf32>
    %swap3A_441 = arith.constant 55 : i32
    %swap3A_442 = arith.index_cast %swap3A_441 : i32 to index
    %swap3A_443 = arith.constant 0 : index
    %swap3A_444 = tpu.vector_load %arg6[%swap3A_442, %swap3A_443] {strides = array<i32>} : memref<80x16xf32, #tpu.memory_space<vmem>>, vector<1x16xf32>,
    %swap3A_445 = vector.shape_cast %swap3A_444 : vector<1x16xf32> to vector<16xf32>
    %swap3A_446 = vector.shape_cast %broadcast_in_dim3A_440 : vector<16xf32> to vector<1x16xf32>
    tpu.vector_store %arg6[%swap3A_442, %swap3A_443], %swap3A_446 {strides = array<i32>} : memref<80x16xf32, #tpu.memory_space<vmem>>, vector<1x16xf32>,
    %broadcast_in_dim3A_447 = arith.constant 1.000000e+00 : f32
    %broadcast_in_dim3A_448 = vector.broadcast %broadcast_in_dim3A_447 : f32 to vector<16xf32>
    %swap3A_449 = arith.constant 56 : i32
    %swap3A_450 = arith.index_cast %swap3A_449 : i32 to index
    %swap3A_451 = arith.constant 0 : index
    %swap3A_452 = tpu.vector_load %arg6[%swap3A_450, %swap3A_451] {strides = array<i32>} : memref<80x16xf32, #tpu.memory_space<vmem>>, vector<1x16xf32>,
    %swap3A_453 = vector.shape_cast %swap3A_452 : vector<1x16xf32> to vector<16xf32>
    %swap3A_454 = vector.shape_cast %broadcast_in_dim3A_448 : vector<16xf32> to vector<1x16xf32>
    tpu.vector_store %arg6[%swap3A_450, %swap3A_451], %swap3A_454 {strides = array<i32>} : memref<80x16xf32, #tpu.memory_space<vmem>>, vector<1x16xf32>,
    %broadcast_in_dim3A_455 = arith.constant 1.000000e+00 : f32
    %broadcast_in_dim3A_456 = vector.broadcast %broadcast_in_dim3A_455 : f32 to vector<16xf32>
    %swap3A_457 = arith.constant 57 : i32
    %swap3A_458 = arith.index_cast %swap3A_457 : i32 to index
    %swap3A_459 = arith.constant 0 : index
    %swap3A_460 = tpu.vector_load %arg6[%swap3A_458, %swap3A_459] {strides = array<i32>} : memref<80x16xf32, #tpu.memory_space<vmem>>, vector<1x16xf32>,
    %swap3A_461 = vector.shape_cast %swap3A_460 : vector<1x16xf32> to vector<16xf32>
    %swap3A_462 = vector.shape_cast %broadcast_in_dim3A_456 : vector<16xf32> to vector<1x16xf32>
    tpu.vector_store %arg6[%swap3A_458, %swap3A_459], %swap3A_462 {strides = array<i32>} : memref<80x16xf32, #tpu.memory_space<vmem>>, vector<1x16xf32>,
    %broadcast_in_dim3A_463 = arith.constant 1.000000e+00 : f32
    %broadcast_in_dim3A_464 = vector.broadcast %broadcast_in_dim3A_463 : f32 to vector<16xf32>
    %swap3A_465 = arith.constant 58 : i32
    %swap3A_466 = arith.index_cast %swap3A_465 : i32 to index
    %swap3A_467 = arith.constant 0 : index
    %swap3A_468 = tpu.vector_load %arg6[%swap3A_466, %swap3A_467] {strides = array<i32>} : memref<80x16xf32, #tpu.memory_space<vmem>>, vector<1x16xf32>,
    %swap3A_469 = vector.shape_cast %swap3A_468 : vector<1x16xf32> to vector<16xf32>
    %swap3A_470 = vector.shape_cast %broadcast_in_dim3A_464 : vector<16xf32> to vector<1x16xf32>
    tpu.vector_store %arg6[%swap3A_466, %swap3A_467], %swap3A_470 {strides = array<i32>} : memref<80x16xf32, #tpu.memory_space<vmem>>, vector<1x16xf32>,
    %broadcast_in_dim3A_471 = arith.constant 1.000000e+00 : f32
    %broadcast_in_dim3A_472 = vector.broadcast %broadcast_in_dim3A_471 : f32 to vector<16xf32>
    %swap3A_473 = arith.constant 59 : i32
    %swap3A_474 = arith.index_cast %swap3A_473 : i32 to index
    %swap3A_475 = arith.constant 0 : index
    %swap3A_476 = tpu.vector_load %arg6[%swap3A_474, %swap3A_475] {strides = array<i32>} : memref<80x16xf32, #tpu.memory_space<vmem>>, vector<1x16xf32>,
    %swap3A_477 = vector.shape_cast %swap3A_476 : vector<1x16xf32> to vector<16xf32>
    %swap3A_478 = vector.shape_cast %broadcast_in_dim3A_472 : vector<16xf32> to vector<1x16xf32>
    tpu.vector_store %arg6[%swap3A_474, %swap3A_475], %swap3A_478 {strides = array<i32>} : memref<80x16xf32, #tpu.memory_space<vmem>>, vector<1x16xf32>,
    %broadcast_in_dim3A_479 = arith.constant 1.000000e+00 : f32
    %broadcast_in_dim3A_480 = vector.broadcast %broadcast_in_dim3A_479 : f32 to vector<16xf32>
    %swap3A_481 = arith.constant 60 : i32
    %swap3A_482 = arith.index_cast %swap3A_481 : i32 to index
    %swap3A_483 = arith.constant 0 : index
    %swap3A_484 = tpu.vector_load %arg6[%swap3A_482, %swap3A_483] {strides = array<i32>} : memref<80x16xf32, #tpu.memory_space<vmem>>, vector<1x16xf32>,
    %swap3A_485 = vector.shape_cast %swap3A_484 : vector<1x16xf32> to vector<16xf32>
    %swap3A_486 = vector.shape_cast %broadcast_in_dim3A_480 : vector<16xf32> to vector<1x16xf32>
    tpu.vector_store %arg6[%swap3A_482, %swap3A_483], %swap3A_486 {strides = array<i32>} : memref<80x16xf32, #tpu.memory_space<vmem>>, vector<1x16xf32>,
    %broadcast_in_dim3A_487 = arith.constant 1.000000e+00 : f32
    %broadcast_in_dim3A_488 = vector.broadcast %broadcast_in_dim3A_487 : f32 to vector<16xf32>
    %swap3A_489 = arith.constant 61 : i32
    %swap3A_490 = arith.index_cast %swap3A_489 : i32 to index
    %swap3A_491 = arith.constant 0 : index
    %swap3A_492 = tpu.vector_load %arg6[%swap3A_490, %swap3A_491] {strides = array<i32>} : memref<80x16xf32, #tpu.memory_space<vmem>>, vector<1x16xf32>,
    %swap3A_493 = vector.shape_cast %swap3A_492 : vector<1x16xf32> to vector<16xf32>
    %swap3A_494 = vector.shape_cast %broadcast_in_dim3A_488 : vector<16xf32> to vector<1x16xf32>
    tpu.vector_store %arg6[%swap3A_490, %swap3A_491], %swap3A_494 {strides = array<i32>} : memref<80x16xf32, #tpu.memory_space<vmem>>, vector<1x16xf32>,
    %broadcast_in_dim3A_495 = arith.constant 1.000000e+00 : f32
    %broadcast_in_dim3A_496 = vector.broadcast %broadcast_in_dim3A_495 : f32 to vector<16xf32>
    %swap3A_497 = arith.constant 62 : i32
    %swap3A_498 = arith.index_cast %swap3A_497 : i32 to index
    %swap3A_499 = arith.constant 0 : index
    %swap3A_500 = tpu.vector_load %arg6[%swap3A_498, %swap3A_499] {strides = array<i32>} : memref<80x16xf32, #tpu.memory_space<vmem>>, vector<1x16xf32>,
    %swap3A_501 = vector.shape_cast %swap3A_500 : vector<1x16xf32> to vector<16xf32>
    %swap3A_502 = vector.shape_cast %broadcast_in_dim3A_496 : vector<16xf32> to vector<1x16xf32>
    tpu.vector_store %arg6[%swap3A_498, %swap3A_499], %swap3A_502 {strides = array<i32>} : memref<80x16xf32, #tpu.memory_space<vmem>>, vector<1x16xf32>,
    %broadcast_in_dim3A_503 = arith.constant 1.000000e+00 : f32
    %broadcast_in_dim3A_504 = vector.broadcast %broadcast_in_dim3A_503 : f32 to vector<16xf32>
    %swap3A_505 = arith.constant 63 : i32
    %swap3A_506 = arith.index_cast %swap3A_505 : i32 to index
    %swap3A_507 = arith.constant 0 : index
    %swap3A_508 = tpu.vector_load %arg6[%swap3A_506, %swap3A_507] {strides = array<i32>} : memref<80x16xf32, #tpu.memory_space<vmem>>, vector<1x16xf32>,
    %swap3A_509 = vector.shape_cast %swap3A_508 : vector<1x16xf32> to vector<16xf32>
    %swap3A_510 = vector.shape_cast %broadcast_in_dim3A_504 : vector<16xf32> to vector<1x16xf32>
    tpu.vector_store %arg6[%swap3A_506, %swap3A_507], %swap3A_510 {strides = array<i32>} : memref<80x16xf32, #tpu.memory_space<vmem>>, vector<1x16xf32>,
    %broadcast_in_dim3A_511 = arith.constant 1.000000e+00 : f32
    %broadcast_in_dim3A_512 = vector.broadcast %broadcast_in_dim3A_511 : f32 to vector<16xf32>
    %swap3A_513 = arith.constant 64 : i32
    %swap3A_514 = arith.index_cast %swap3A_513 : i32 to index
    %swap3A_515 = arith.constant 0 : index
    %swap3A_516 = tpu.vector_load %arg6[%swap3A_514, %swap3A_515] {strides = array<i32>} : memref<80x16xf32, #tpu.memory_space<vmem>>, vector<1x16xf32>,
    %swap3A_517 = vector.shape_cast %swap3A_516 : vector<1x16xf32> to vector<16xf32>
    %swap3A_518 = vector.shape_cast %broadcast_in_dim3A_512 : vector<16xf32> to vector<1x16xf32>
    tpu.vector_store %arg6[%swap3A_514, %swap3A_515], %swap3A_518 {strides = array<i32>} : memref<80x16xf32, #tpu.memory_space<vmem>>, vector<1x16xf32>,
    %broadcast_in_dim3A_519 = arith.constant 1.000000e+00 : f32
    %broadcast_in_dim3A_520 = vector.broadcast %broadcast_in_dim3A_519 : f32 to vector<16xf32>
    %swap3A_521 = arith.constant 65 : i32
    %swap3A_522 = arith.index_cast %swap3A_521 : i32 to index
    %swap3A_523 = arith.constant 0 : index
    %swap3A_524 = tpu.vector_load %arg6[%swap3A_522, %swap3A_523] {strides = array<i32>} : memref<80x16xf32, #tpu.memory_space<vmem>>, vector<1x16xf32>,
    %swap3A_525 = vector.shape_cast %swap3A_524 : vector<1x16xf32> to vector<16xf32>
    %swap3A_526 = vector.shape_cast %broadcast_in_dim3A_520 : vector<16xf32> to vector<1x16xf32>
    tpu.vector_store %arg6[%swap3A_522, %swap3A_523], %swap3A_526 {strides = array<i32>} : memref<80x16xf32, #tpu.memory_space<vmem>>, vector<1x16xf32>,
    %broadcast_in_dim3A_527 = arith.constant 1.000000e+00 : f32
    %broadcast_in_dim3A_528 = vector.broadcast %broadcast_in_dim3A_527 : f32 to vector<16xf32>
    %swap3A_529 = arith.constant 66 : i32
    %swap3A_530 = arith.index_cast %swap3A_529 : i32 to index
    %swap3A_531 = arith.constant 0 : index
    %swap3A_532 = tpu.vector_load %arg6[%swap3A_530, %swap3A_531] {strides = array<i32>} : memref<80x16xf32, #tpu.memory_space<vmem>>, vector<1x16xf32>,
    %swap3A_533 = vector.shape_cast %swap3A_532 : vector<1x16xf32> to vector<16xf32>
    %swap3A_534 = vector.shape_cast %broadcast_in_dim3A_528 : vector<16xf32> to vector<1x16xf32>
    tpu.vector_store %arg6[%swap3A_530, %swap3A_531], %swap3A_534 {strides = array<i32>} : memref<80x16xf32, #tpu.memory_space<vmem>>, vector<1x16xf32>,
    %broadcast_in_dim3A_535 = arith.constant 1.000000e+00 : f32
    %broadcast_in_dim3A_536 = vector.broadcast %broadcast_in_dim3A_535 : f32 to vector<16xf32>
    %swap3A_537 = arith.constant 67 : i32
    %swap3A_538 = arith.index_cast %swap3A_537 : i32 to index
    %swap3A_539 = arith.constant 0 : index
    %swap3A_540 = tpu.vector_load %arg6[%swap3A_538, %swap3A_539] {strides = array<i32>} : memref<80x16xf32, #tpu.memory_space<vmem>>, vector<1x16xf32>,
    %swap3A_541 = vector.shape_cast %swap3A_540 : vector<1x16xf32> to vector<16xf32>
    %swap3A_542 = vector.shape_cast %broadcast_in_dim3A_536 : vector<16xf32> to vector<1x16xf32>
    tpu.vector_store %arg6[%swap3A_538, %swap3A_539], %swap3A_542 {strides = array<i32>} : memref<80x16xf32, #tpu.memory_space<vmem>>, vector<1x16xf32>,
    %broadcast_in_dim3A_543 = arith.constant 1.000000e+00 : f32
    %broadcast_in_dim3A_544 = vector.broadcast %broadcast_in_dim3A_543 : f32 to vector<16xf32>
    %swap3A_545 = arith.constant 68 : i32
    %swap3A_546 = arith.index_cast %swap3A_545 : i32 to index
    %swap3A_547 = arith.constant 0 : index
    %swap3A_548 = tpu.vector_load %arg6[%swap3A_546, %swap3A_547] {strides = array<i32>} : memref<80x16xf32, #tpu.memory_space<vmem>>, vector<1x16xf32>,
    %swap3A_549 = vector.shape_cast %swap3A_548 : vector<1x16xf32> to vector<16xf32>
    %swap3A_550 = vector.shape_cast %broadcast_in_dim3A_544 : vector<16xf32> to vector<1x16xf32>
    tpu.vector_store %arg6[%swap3A_546, %swap3A_547], %swap3A_550 {strides = array<i32>} : memref<80x16xf32, #tpu.memory_space<vmem>>, vector<1x16xf32>,
    %broadcast_in_dim3A_551 = arith.constant 1.000000e+00 : f32
    %broadcast_in_dim3A_552 = vector.broadcast %broadcast_in_dim3A_551 : f32 to vector<16xf32>
    %swap3A_553 = arith.constant 69 : i32
    %swap3A_554 = arith.index_cast %swap3A_553 : i32 to index
    %swap3A_555 = arith.constant 0 : index
    %swap3A_556 = tpu.vector_load %arg6[%swap3A_554, %swap3A_555] {strides = array<i32>} : memref<80x16xf32, #tpu.memory_space<vmem>>, vector<1x16xf32>,
    %swap3A_557 = vector.shape_cast %swap3A_556 : vector<1x16xf32> to vector<16xf32>
    %swap3A_558 = vector.shape_cast %broadcast_in_dim3A_552 : vector<16xf32> to vector<1x16xf32>
    tpu.vector_store %arg6[%swap3A_554, %swap3A_555], %swap3A_558 {strides = array<i32>} : memref<80x16xf32, #tpu.memory_space<vmem>>, vector<1x16xf32>,
    %broadcast_in_dim3A_559 = arith.constant 1.000000e+00 : f32
    %broadcast_in_dim3A_560 = vector.broadcast %broadcast_in_dim3A_559 : f32 to vector<16xf32>
    %swap3A_561 = arith.constant 70 : i32
    %swap3A_562 = arith.index_cast %swap3A_561 : i32 to index
    %swap3A_563 = arith.constant 0 : index
    %swap3A_564 = tpu.vector_load %arg6[%swap3A_562, %swap3A_563] {strides = array<i32>} : memref<80x16xf32, #tpu.memory_space<vmem>>, vector<1x16xf32>,
    %swap3A_565 = vector.shape_cast %swap3A_564 : vector<1x16xf32> to vector<16xf32>
    %swap3A_566 = vector.shape_cast %broadcast_in_dim3A_560 : vector<16xf32> to vector<1x16xf32>
    tpu.vector_store %arg6[%swap3A_562, %swap3A_563], %swap3A_566 {strides = array<i32>} : memref<80x16xf32, #tpu.memory_space<vmem>>, vector<1x16xf32>,
    %broadcast_in_dim3A_567 = arith.constant 1.000000e+00 : f32
    %broadcast_in_dim3A_568 = vector.broadcast %broadcast_in_dim3A_567 : f32 to vector<16xf32>
    %swap3A_569 = arith.constant 71 : i32
    %swap3A_570 = arith.index_cast %swap3A_569 : i32 to index
    %swap3A_571 = arith.constant 0 : index
    %swap3A_572 = tpu.vector_load %arg6[%swap3A_570, %swap3A_571] {strides = array<i32>} : memref<80x16xf32, #tpu.memory_space<vmem>>, vector<1x16xf32>,
    %swap3A_573 = vector.shape_cast %swap3A_572 : vector<1x16xf32> to vector<16xf32>
    %swap3A_574 = vector.shape_cast %broadcast_in_dim3A_568 : vector<16xf32> to vector<1x16xf32>
    tpu.vector_store %arg6[%swap3A_570, %swap3A_571], %swap3A_574 {strides = array<i32>} : memref<80x16xf32, #tpu.memory_space<vmem>>, vector<1x16xf32>,
    %broadcast_in_dim3A_575 = arith.constant 1.000000e+00 : f32
    %broadcast_in_dim3A_576 = vector.broadcast %broadcast_in_dim3A_575 : f32 to vector<16xf32>
    %swap3A_577 = arith.constant 72 : i32
    %swap3A_578 = arith.index_cast %swap3A_577 : i32 to index
    %swap3A_579 = arith.constant 0 : index
    %swap3A_580 = tpu.vector_load %arg6[%swap3A_578, %swap3A_579] {strides = array<i32>} : memref<80x16xf32, #tpu.memory_space<vmem>>, vector<1x16xf32>,
    %swap3A_581 = vector.shape_cast %swap3A_580 : vector<1x16xf32> to vector<16xf32>
    %swap3A_582 = vector.shape_cast %broadcast_in_dim3A_576 : vector<16xf32> to vector<1x16xf32>
    tpu.vector_store %arg6[%swap3A_578, %swap3A_579], %swap3A_582 {strides = array<i32>} : memref<80x16xf32, #tpu.memory_space<vmem>>, vector<1x16xf32>,
    %broadcast_in_dim3A_583 = arith.constant 1.000000e+00 : f32
    %broadcast_in_dim3A_584 = vector.broadcast %broadcast_in_dim3A_583 : f32 to vector<16xf32>
    %swap3A_585 = arith.constant 73 : i32
    %swap3A_586 = arith.index_cast %swap3A_585 : i32 to index
    %swap3A_587 = arith.constant 0 : index
    %swap3A_588 = tpu.vector_load %arg6[%swap3A_586, %swap3A_587] {strides = array<i32>} : memref<80x16xf32, #tpu.memory_space<vmem>>, vector<1x16xf32>,
    %swap3A_589 = vector.shape_cast %swap3A_588 : vector<1x16xf32> to vector<16xf32>
    %swap3A_590 = vector.shape_cast %broadcast_in_dim3A_584 : vector<16xf32> to vector<1x16xf32>
    tpu.vector_store %arg6[%swap3A_586, %swap3A_587], %swap3A_590 {strides = array<i32>} : memref<80x16xf32, #tpu.memory_space<vmem>>, vector<1x16xf32>,
    %broadcast_in_dim3A_591 = arith.constant 1.000000e+00 : f32
    %broadcast_in_dim3A_592 = vector.broadcast %broadcast_in_dim3A_591 : f32 to vector<16xf32>
    %swap3A_593 = arith.constant 74 : i32
    %swap3A_594 = arith.index_cast %swap3A_593 : i32 to index
    %swap3A_595 = arith.constant 0 : index
    %swap3A_596 = tpu.vector_load %arg6[%swap3A_594, %swap3A_595] {strides = array<i32>} : memref<80x16xf32, #tpu.memory_space<vmem>>, vector<1x16xf32>,
    %swap3A_597 = vector.shape_cast %swap3A_596 : vector<1x16xf32> to vector<16xf32>
    %swap3A_598 = vector.shape_cast %broadcast_in_dim3A_592 : vector<16xf32> to vector<1x16xf32>
    tpu.vector_store %arg6[%swap3A_594, %swap3A_595], %swap3A_598 {strides = array<i32>} : memref<80x16xf32, #tpu.memory_space<vmem>>, vector<1x16xf32>,
    %broadcast_in_dim3A_599 = arith.constant 1.000000e+00 : f32
    %broadcast_in_dim3A_600 = vector.broadcast %broadcast_in_dim3A_599 : f32 to vector<16xf32>
    %swap3A_601 = arith.constant 75 : i32
    %swap3A_602 = arith.index_cast %swap3A_601 : i32 to index
    %swap3A_603 = arith.constant 0 : index
    %swap3A_604 = tpu.vector_load %arg6[%swap3A_602, %swap3A_603] {strides = array<i32>} : memref<80x16xf32, #tpu.memory_space<vmem>>, vector<1x16xf32>,
    %swap3A_605 = vector.shape_cast %swap3A_604 : vector<1x16xf32> to vector<16xf32>
    %swap3A_606 = vector.shape_cast %broadcast_in_dim3A_600 : vector<16xf32> to vector<1x16xf32>
    tpu.vector_store %arg6[%swap3A_602, %swap3A_603], %swap3A_606 {strides = array<i32>} : memref<80x16xf32, #tpu.memory_space<vmem>>, vector<1x16xf32>,
    %broadcast_in_dim3A_607 = arith.constant 1.000000e+00 : f32
    %broadcast_in_dim3A_608 = vector.broadcast %broadcast_in_dim3A_607 : f32 to vector<16xf32>
    %swap3A_609 = arith.constant 76 : i32
    %swap3A_610 = arith.index_cast %swap3A_609 : i32 to index
    %swap3A_611 = arith.constant 0 : index
    %swap3A_612 = tpu.vector_load %arg6[%swap3A_610, %swap3A_611] {strides = array<i32>} : memref<80x16xf32, #tpu.memory_space<vmem>>, vector<1x16xf32>,
    %swap3A_613 = vector.shape_cast %swap3A_612 : vector<1x16xf32> to vector<16xf32>
    %swap3A_614 = vector.shape_cast %broadcast_in_dim3A_608 : vector<16xf32> to vector<1x16xf32>
    tpu.vector_store %arg6[%swap3A_610, %swap3A_611], %swap3A_614 {strides = array<i32>} : memref<80x16xf32, #tpu.memory_space<vmem>>, vector<1x16xf32>,
    %broadcast_in_dim3A_615 = arith.constant 1.000000e+00 : f32
    %broadcast_in_dim3A_616 = vector.broadcast %broadcast_in_dim3A_615 : f32 to vector<16xf32>
    %swap3A_617 = arith.constant 77 : i32
    %swap3A_618 = arith.index_cast %swap3A_617 : i32 to index
    %swap3A_619 = arith.constant 0 : index
    %swap3A_620 = tpu.vector_load %arg6[%swap3A_618, %swap3A_619] {strides = array<i32>} : memref<80x16xf32, #tpu.memory_space<vmem>>, vector<1x16xf32>,
    %swap3A_621 = vector.shape_cast %swap3A_620 : vector<1x16xf32> to vector<16xf32>
    %swap3A_622 = vector.shape_cast %broadcast_in_dim3A_616 : vector<16xf32> to vector<1x16xf32>
    tpu.vector_store %arg6[%swap3A_618, %swap3A_619], %swap3A_622 {strides = array<i32>} : memref<80x16xf32, #tpu.memory_space<vmem>>, vector<1x16xf32>,
    %broadcast_in_dim3A_623 = arith.constant 1.000000e+00 : f32
    %broadcast_in_dim3A_624 = vector.broadcast %broadcast_in_dim3A_623 : f32 to vector<16xf32>
    %swap3A_625 = arith.constant 78 : i32
    %swap3A_626 = arith.index_cast %swap3A_625 : i32 to index
    %swap3A_627 = arith.constant 0 : index
    %swap3A_628 = tpu.vector_load %arg6[%swap3A_626, %swap3A_627] {strides = array<i32>} : memref<80x16xf32, #tpu.memory_space<vmem>>, vector<1x16xf32>,
    %swap3A_629 = vector.shape_cast %swap3A_628 : vector<1x16xf32> to vector<16xf32>
    %swap3A_630 = vector.shape_cast %broadcast_in_dim3A_624 : vector<16xf32> to vector<1x16xf32>
    tpu.vector_store %arg6[%swap3A_626, %swap3A_627], %swap3A_630 {strides = array<i32>} : memref<80x16xf32, #tpu.memory_space<vmem>>, vector<1x16xf32>,
    %broadcast_in_dim3A_631 = arith.constant 1.000000e+00 : f32
    %broadcast_in_dim3A_632 = vector.broadcast %broadcast_in_dim3A_631 : f32 to vector<16xf32>
    %swap3A_633 = arith.constant 79 : i32
    %swap3A_634 = arith.index_cast %swap3A_633 : i32 to index
    %swap3A_635 = arith.constant 0 : index
    %swap3A_636 = tpu.vector_load %arg6[%swap3A_634, %swap3A_635] {strides = array<i32>} : memref<80x16xf32, #tpu.memory_space<vmem>>, vector<1x16xf32>,
    %swap3A_637 = vector.shape_cast %swap3A_636 : vector<1x16xf32> to vector<16xf32>
    %swap3A_638 = vector.shape_cast %broadcast_in_dim3A_632 : vector<16xf32> to vector<1x16xf32>
    tpu.vector_store %arg6[%swap3A_634, %swap3A_635], %swap3A_638 {strides = array<i32>} : memref<80x16xf32, #tpu.memory_space<vmem>>, vector<1x16xf32>,
    %barrier3A = arith.constant 0 : index
    tpu.barrier barrier_id(%barrier3A)
    %mul3A_639 = arith.constant 2 : i32
    %mul3A_640 = arith.muli %arg1, %mul3A_639 : i32
    %add3A = arith.addi %mul3A_640, %arg0 : i32
    %mul3A_641 = arith.constant 10000 : i32
    %mul3A_642 = arith.muli %add3A, %mul3A_641 : i32
    %scan3A = arith.constant 0 : i32
    %scan3A_643 = arith.constant 0 : i32
    %scan3A_644 = arith.constant 125 : i32
    %scan3A_645 = arith.addi %scan3A_643, %scan3A_644 : i32
    %scan3A_646 = arith.constant 1 : i32
    scf.for %scan3A_649 = %scan3A_643 to %scan3A_645 step %scan3A_646  : i32 {
      %mul3A_650 = arith.constant 80 : i32
      %mul3A_651 = arith.muli %scan3A_649, %mul3A_650 : i32
      %add3A_652 = arith.addi %mul3A_642, %mul3A_651 : i32
      "tpu.region"() ({
        %run_scoped3A = tpu.sem_alloc : memref<!tpu.dma_semaphore, #tpu.memory_space<semaphore_mem>>
        %dma_start3A = tpu.memref_slice %arg2[%add3A_652] : memref<320000xi32, #tpu.memory_space<hbm>> -> memref<80xi32, #tpu.memory_space<hbm>>
        %dma_start3A_653 = tpu.memref_slice %arg2[%add3A_652] : memref<320000xi32, #tpu.memory_space<hbm>> -> memref<80xi32, #tpu.memory_space<hbm>>
        tpu.enqueue_dma source(%dma_start3A_653 : memref<80xi32, #tpu.memory_space<hbm>>) target(%arg5 : memref<80xi32, #tpu.memory_space<vmem>>) target_semaphore(%run_scoped3A : memref<!tpu.dma_semaphore, #tpu.memory_space<semaphore_mem>>)
        %dma_wait3A = tpu.memref_slice %arg2[%add3A_652] : memref<320000xi32, #tpu.memory_space<hbm>> -> memref<80xi32, #tpu.memory_space<hbm>>
        %dma_wait3A_654 = tpu.memref_slice %arg2[%add3A_652] : memref<320000xi32, #tpu.memory_space<hbm>> -> memref<80xi32, #tpu.memory_space<hbm>>
        tpu.wait_dma2 semaphore(%run_scoped3A : memref<!tpu.dma_semaphore, #tpu.memory_space<semaphore_mem>>) src(%dma_wait3A_654 : memref<80xi32, #tpu.memory_space<hbm>>) dst(%arg5 : memref<80xi32, #tpu.memory_space<vmem>>)
        tpu.yield
      }) : () -> ()
      "tpu.region"() ({
        %run_scoped3A = tpu.sem_alloc : memref<!tpu.dma_semaphore, #tpu.memory_space<semaphore_mem>>
        %dma_start3A = arith.constant 0 : i32
        %dma_start3A_653 = arith.constant 0 : i32
        %dma_start3A_654 = tpu.memref_slice %arg7[%dma_start3A, %dma_start3A_653] : memref<10112x16xf32, #tpu.memory_space<vmem_shared>> -> memref<10112x16xf32, #tpu.memory_space<vmem_shared>>
        tpu.enqueue_indirect_dma source(%arg6 : memref<80x16xf32, #tpu.memory_space<vmem>>) target(%dma_start3A_654 : memref<10112x16xf32, #tpu.memory_space<vmem_shared>>) offsets(%arg5 : memref<80xi32, #tpu.memory_space<vmem>>) semaphore(%run_scoped3A : memref<!tpu.dma_semaphore, #tpu.memory_space<semaphore_mem>>) {add = true}
        %dma_wait3A = arith.constant 0 : i32
        %dma_wait3A_655 = arith.constant 0 : i32
        %dma_wait3A_656 = tpu.memref_slice %arg7[%dma_wait3A, %dma_wait3A_655] : memref<10112x16xf32, #tpu.memory_space<vmem_shared>> -> memref<10112x16xf32, #tpu.memory_space<vmem_shared>>
        tpu.wait_indirect_dma semaphore(%run_scoped3A : memref<!tpu.dma_semaphore, #tpu.memory_space<semaphore_mem>>) src(%arg6 : memref<80x16xf32, #tpu.memory_space<vmem>>) dst(%dma_wait3A_656 : memref<10112x16xf32, #tpu.memory_space<vmem_shared>>)
        tpu.yield
      }) : () -> ()
    }
    %scan3A_647 = arith.constant 125 : i32
    %barrier3A_648 = arith.constant 0 : index
    tpu.barrier barrier_id(%barrier3A_648)
    "tpu.region"() ({
      %run_scoped3A = tpu.sem_alloc : memref<!tpu.dma_semaphore, #tpu.memory_space<semaphore_mem>>
      %dma_start3A = arith.constant 0 : i32
      %dma_start3A_649 = tpu.memref_slice %arg4[%arg0, %mul3A_0, %dma_start3A] : memref<2x10112x16xf32, #tpu.memory_space<hbm>> -> memref<1x632x16xf32, #tpu.memory_space<hbm>>
      %dma_start3A_650 = tpu.memref_squeeze %dma_start3A_649 : memref<1x632x16xf32, #tpu.memory_space<hbm>> -> memref<632x16xf32, #tpu.memory_space<hbm>>
      %dma_start3A_651 = arith.constant 0 : i32
      %dma_start3A_652 = tpu.memref_slice %arg7[%mul3A_0, %dma_start3A_651] : memref<10112x16xf32, #tpu.memory_space<vmem_shared>> -> memref<632x16xf32, #tpu.memory_space<vmem_shared>>
      tpu.enqueue_dma source(%dma_start3A_652 : memref<632x16xf32, #tpu.memory_space<vmem_shared>>) target(%dma_start3A_650 : memref<632x16xf32, #tpu.memory_space<hbm>>) target_semaphore(%run_scoped3A : memref<!tpu.dma_semaphore, #tpu.memory_space<semaphore_mem>>)
      %dma_wait3A = arith.constant 0 : i32
      %dma_wait3A_653 = tpu.memref_slice %arg4[%arg0, %mul3A_0, %dma_wait3A] : memref<2x10112x16xf32, #tpu.memory_space<hbm>> -> memref<1x632x16xf32, #tpu.memory_space<hbm>>
      %dma_wait3A_654 = tpu.memref_squeeze %dma_wait3A_653 : memref<1x632x16xf32, #tpu.memory_space<hbm>> -> memref<632x16xf32, #tpu.memory_space<hbm>>
      %dma_wait3A_655 = arith.constant 0 : i32
      %dma_wait3A_656 = tpu.memref_slice %arg7[%mul3A_0, %dma_wait3A_655] : memref<10112x16xf32, #tpu.memory_space<vmem_shared>> -> memref<632x16xf32, #tpu.memory_space<vmem_shared>>
      tpu.wait_dma2 semaphore(%run_scoped3A : memref<!tpu.dma_semaphore, #tpu.memory_space<semaphore_mem>>) src(%dma_wait3A_656 : memref<632x16xf32, #tpu.memory_space<vmem_shared>>) dst(%dma_wait3A_654 : memref<632x16xf32, #tpu.memory_space<hbm>>)
      tpu.yield
    }) : () -> ()
    return
  }
}

#map = affine_map<(d0, d1) -> (0, 0)>
#map1 = affine_map<(d0, d1) -> (0)>
#map2 = affine_map<(d0, d1) -> (0, 0, 0)>
module attributes {stable_mosaic.version = 14 : i64} {
  func.func @agg_kernel(%arg0: i32, %arg1: i32, %arg2: memref<10000x128xf32, #tpu.memory_space<hbm>>, %arg3: memref<320000xi32, #tpu.memory_space<hbm>>, %arg4: memref<320000xi32, #tpu.memory_space<hbm>>, %arg5: memref<10112x128xf32, #tpu.memory_space<hbm>>, %arg6: memref<2x10112x128xf32, #tpu.memory_space<hbm>>, %arg7: memref<80xi32, #tpu.memory_space<vmem>>, %arg8: memref<80xi32, #tpu.memory_space<vmem>>, %arg9: memref<80x128xf32, #tpu.memory_space<vmem>>, %arg10: memref<10112x128xf32, #tpu.memory_space<vmem_shared>>, %arg11: memref<!tpu.dma_semaphore, #tpu.memory_space<semaphore_mem>>) attributes {dimension_semantics = [#tpu.dimension_semantics<core_parallel>, #tpu.dimension_semantics<subcore_parallel>], iteration_bounds = array<i64: 2, 16>, scalar_prefetch = 0 : i64, scratch_operands = 5 : i64, tpu.core_type = #tpu.core_type<sc_vector_subcore>, window_params = [{transform_indices = #map}, {transform_indices = #map1}, {transform_indices = #map1}, {transform_indices = #map}, {transform_indices = #map2}]} {
    %mul3A = arith.constant 632 : i32
    %mul3A_0 = arith.muli %arg1, %mul3A : i32
    "tpu.region"() ({
      %run_scoped3A = tpu.sem_alloc : memref<!tpu.dma_semaphore, #tpu.memory_space<semaphore_mem>>
      %dma_start3A = arith.constant 0 : i32
      %dma_start3A_11 = tpu.memref_slice %arg10[%mul3A_0, %dma_start3A] : memref<10112x128xf32, #tpu.memory_space<vmem_shared>> -> memref<632x128xf32, #tpu.memory_space<vmem_shared>>
      %dma_start3A_12 = arith.constant 0 : i32
      %dma_start3A_13 = tpu.memref_slice %arg5[%mul3A_0, %dma_start3A_12] : memref<10112x128xf32, #tpu.memory_space<hbm>> -> memref<632x128xf32, #tpu.memory_space<hbm>>
      tpu.enqueue_dma source(%dma_start3A_13 : memref<632x128xf32, #tpu.memory_space<hbm>>) target(%dma_start3A_11 : memref<632x128xf32, #tpu.memory_space<vmem_shared>>) target_semaphore(%run_scoped3A : memref<!tpu.dma_semaphore, #tpu.memory_space<semaphore_mem>>)
      %dma_wait3A = arith.constant 0 : i32
      %dma_wait3A_14 = tpu.memref_slice %arg10[%mul3A_0, %dma_wait3A] : memref<10112x128xf32, #tpu.memory_space<vmem_shared>> -> memref<632x128xf32, #tpu.memory_space<vmem_shared>>
      %dma_wait3A_15 = arith.constant 0 : i32
      %dma_wait3A_16 = tpu.memref_slice %arg5[%mul3A_0, %dma_wait3A_15] : memref<10112x128xf32, #tpu.memory_space<hbm>> -> memref<632x128xf32, #tpu.memory_space<hbm>>
      tpu.wait_dma2 semaphore(%run_scoped3A : memref<!tpu.dma_semaphore, #tpu.memory_space<semaphore_mem>>) src(%dma_wait3A_16 : memref<632x128xf32, #tpu.memory_space<hbm>>) dst(%dma_wait3A_14 : memref<632x128xf32, #tpu.memory_space<vmem_shared>>)
      tpu.yield
    }) : () -> ()
    %barrier3A = arith.constant 0 : index
    tpu.barrier barrier_id(%barrier3A)
    %mul3A_1 = arith.constant 2 : i32
    %mul3A_2 = arith.muli %arg1, %mul3A_1 : i32
    %add3A = arith.addi %mul3A_2, %arg0 : i32
    %mul3A_3 = arith.constant 10000 : i32
    %mul3A_4 = arith.muli %add3A, %mul3A_3 : i32
    %scan3A = arith.constant 0 : i32
    %scan3A_5 = arith.constant 0 : i32
    %scan3A_6 = arith.constant 125 : i32
    %scan3A_7 = arith.addi %scan3A_5, %scan3A_6 : i32
    %scan3A_8 = arith.constant 1 : i32
    scf.for %scan3A_11 = %scan3A_5 to %scan3A_7 step %scan3A_8  : i32 {
      %mul3A_12 = arith.constant 80 : i32
      %mul3A_13 = arith.muli %scan3A_11, %mul3A_12 : i32
      %add3A_14 = arith.addi %mul3A_4, %mul3A_13 : i32
      "tpu.region"() ({
        %run_scoped3A = tpu.sem_alloc : memref<!tpu.dma_semaphore, #tpu.memory_space<semaphore_mem>>
        %dma_start3A_19 = tpu.memref_slice %arg3[%add3A_14] : memref<320000xi32, #tpu.memory_space<hbm>> -> memref<80xi32, #tpu.memory_space<hbm>>
        %dma_start3A_20 = tpu.memref_slice %arg3[%add3A_14] : memref<320000xi32, #tpu.memory_space<hbm>> -> memref<80xi32, #tpu.memory_space<hbm>>
        tpu.enqueue_dma source(%dma_start3A_20 : memref<80xi32, #tpu.memory_space<hbm>>) target(%arg7 : memref<80xi32, #tpu.memory_space<vmem>>) target_semaphore(%run_scoped3A : memref<!tpu.dma_semaphore, #tpu.memory_space<semaphore_mem>>)
        %dma_wait3A_21 = tpu.memref_slice %arg3[%add3A_14] : memref<320000xi32, #tpu.memory_space<hbm>> -> memref<80xi32, #tpu.memory_space<hbm>>
        %dma_wait3A_22 = tpu.memref_slice %arg3[%add3A_14] : memref<320000xi32, #tpu.memory_space<hbm>> -> memref<80xi32, #tpu.memory_space<hbm>>
        tpu.wait_dma2 semaphore(%run_scoped3A : memref<!tpu.dma_semaphore, #tpu.memory_space<semaphore_mem>>) src(%dma_wait3A_22 : memref<80xi32, #tpu.memory_space<hbm>>) dst(%arg7 : memref<80xi32, #tpu.memory_space<vmem>>)
        tpu.yield
      }) : () -> ()
      "tpu.region"() ({
        %run_scoped3A = tpu.sem_alloc : memref<!tpu.dma_semaphore, #tpu.memory_space<semaphore_mem>>
        %dma_start3A_19 = tpu.memref_slice %arg4[%add3A_14] : memref<320000xi32, #tpu.memory_space<hbm>> -> memref<80xi32, #tpu.memory_space<hbm>>
        %dma_start3A_20 = tpu.memref_slice %arg4[%add3A_14] : memref<320000xi32, #tpu.memory_space<hbm>> -> memref<80xi32, #tpu.memory_space<hbm>>
        tpu.enqueue_dma source(%dma_start3A_20 : memref<80xi32, #tpu.memory_space<hbm>>) target(%arg8 : memref<80xi32, #tpu.memory_space<vmem>>) target_semaphore(%run_scoped3A : memref<!tpu.dma_semaphore, #tpu.memory_space<semaphore_mem>>)
        %dma_wait3A_21 = tpu.memref_slice %arg4[%add3A_14] : memref<320000xi32, #tpu.memory_space<hbm>> -> memref<80xi32, #tpu.memory_space<hbm>>
        %dma_wait3A_22 = tpu.memref_slice %arg4[%add3A_14] : memref<320000xi32, #tpu.memory_space<hbm>> -> memref<80xi32, #tpu.memory_space<hbm>>
        tpu.wait_dma2 semaphore(%run_scoped3A : memref<!tpu.dma_semaphore, #tpu.memory_space<semaphore_mem>>) src(%dma_wait3A_22 : memref<80xi32, #tpu.memory_space<hbm>>) dst(%arg8 : memref<80xi32, #tpu.memory_space<vmem>>)
        tpu.yield
      }) : () -> ()
      %dma_start3A = arith.constant 0 : i32
      %dma_start3A_15 = arith.constant 0 : i32
      %dma_start3A_16 = tpu.memref_slice %arg2[%dma_start3A, %dma_start3A_15] : memref<10000x128xf32, #tpu.memory_space<hbm>> -> memref<10000x128xf32, #tpu.memory_space<hbm>>
      tpu.enqueue_indirect_dma source(%dma_start3A_16 : memref<10000x128xf32, #tpu.memory_space<hbm>>) target(%arg9 : memref<80x128xf32, #tpu.memory_space<vmem>>) offsets(%arg7 : memref<80xi32, #tpu.memory_space<vmem>>) semaphore(%arg11 : memref<!tpu.dma_semaphore, #tpu.memory_space<semaphore_mem>>)
      %dma_wait3A = arith.constant 0 : i32
      %dma_wait3A_17 = arith.constant 0 : i32
      %dma_wait3A_18 = tpu.memref_slice %arg2[%dma_wait3A, %dma_wait3A_17] : memref<10000x128xf32, #tpu.memory_space<hbm>> -> memref<10000x128xf32, #tpu.memory_space<hbm>>
      tpu.wait_indirect_dma semaphore(%arg11 : memref<!tpu.dma_semaphore, #tpu.memory_space<semaphore_mem>>) src(%dma_wait3A_18 : memref<10000x128xf32, #tpu.memory_space<hbm>>) dst(%arg9 : memref<80x128xf32, #tpu.memory_space<vmem>>)
      "tpu.region"() ({
        %run_scoped3A = tpu.sem_alloc : memref<!tpu.dma_semaphore, #tpu.memory_space<semaphore_mem>>
        %dma_start3A_19 = arith.constant 0 : i32
        %dma_start3A_20 = arith.constant 0 : i32
        %dma_start3A_21 = tpu.memref_slice %arg10[%dma_start3A_19, %dma_start3A_20] : memref<10112x128xf32, #tpu.memory_space<vmem_shared>> -> memref<10112x128xf32, #tpu.memory_space<vmem_shared>>
        tpu.enqueue_indirect_dma source(%arg9 : memref<80x128xf32, #tpu.memory_space<vmem>>) target(%dma_start3A_21 : memref<10112x128xf32, #tpu.memory_space<vmem_shared>>) offsets(%arg8 : memref<80xi32, #tpu.memory_space<vmem>>) semaphore(%run_scoped3A : memref<!tpu.dma_semaphore, #tpu.memory_space<semaphore_mem>>) {add = true}
        %dma_wait3A_22 = arith.constant 0 : i32
        %dma_wait3A_23 = arith.constant 0 : i32
        %dma_wait3A_24 = tpu.memref_slice %arg10[%dma_wait3A_22, %dma_wait3A_23] : memref<10112x128xf32, #tpu.memory_space<vmem_shared>> -> memref<10112x128xf32, #tpu.memory_space<vmem_shared>>
        tpu.wait_indirect_dma semaphore(%run_scoped3A : memref<!tpu.dma_semaphore, #tpu.memory_space<semaphore_mem>>) src(%arg9 : memref<80x128xf32, #tpu.memory_space<vmem>>) dst(%dma_wait3A_24 : memref<10112x128xf32, #tpu.memory_space<vmem_shared>>)
        tpu.yield
      }) : () -> ()
    }
    %scan3A_9 = arith.constant 125 : i32
    %barrier3A_10 = arith.constant 0 : index
    tpu.barrier barrier_id(%barrier3A_10)
    "tpu.region"() ({
      %run_scoped3A = tpu.sem_alloc : memref<!tpu.dma_semaphore, #tpu.memory_space<semaphore_mem>>
      %dma_start3A = arith.constant 0 : i32
      %dma_start3A_11 = tpu.memref_slice %arg6[%arg0, %mul3A_0, %dma_start3A] : memref<2x10112x128xf32, #tpu.memory_space<hbm>> -> memref<1x632x128xf32, #tpu.memory_space<hbm>>
      %dma_start3A_12 = tpu.memref_squeeze %dma_start3A_11 : memref<1x632x128xf32, #tpu.memory_space<hbm>> -> memref<632x128xf32, #tpu.memory_space<hbm>>
      %dma_start3A_13 = arith.constant 0 : i32
      %dma_start3A_14 = tpu.memref_slice %arg10[%mul3A_0, %dma_start3A_13] : memref<10112x128xf32, #tpu.memory_space<vmem_shared>> -> memref<632x128xf32, #tpu.memory_space<vmem_shared>>
      tpu.enqueue_dma source(%dma_start3A_14 : memref<632x128xf32, #tpu.memory_space<vmem_shared>>) target(%dma_start3A_12 : memref<632x128xf32, #tpu.memory_space<hbm>>) target_semaphore(%run_scoped3A : memref<!tpu.dma_semaphore, #tpu.memory_space<semaphore_mem>>)
      %dma_wait3A = arith.constant 0 : i32
      %dma_wait3A_15 = tpu.memref_slice %arg6[%arg0, %mul3A_0, %dma_wait3A] : memref<2x10112x128xf32, #tpu.memory_space<hbm>> -> memref<1x632x128xf32, #tpu.memory_space<hbm>>
      %dma_wait3A_16 = tpu.memref_squeeze %dma_wait3A_15 : memref<1x632x128xf32, #tpu.memory_space<hbm>> -> memref<632x128xf32, #tpu.memory_space<hbm>>
      %dma_wait3A_17 = arith.constant 0 : i32
      %dma_wait3A_18 = tpu.memref_slice %arg10[%mul3A_0, %dma_wait3A_17] : memref<10112x128xf32, #tpu.memory_space<vmem_shared>> -> memref<632x128xf32, #tpu.memory_space<vmem_shared>>
      tpu.wait_dma2 semaphore(%run_scoped3A : memref<!tpu.dma_semaphore, #tpu.memory_space<semaphore_mem>>) src(%dma_wait3A_18 : memref<632x128xf32, #tpu.memory_space<vmem_shared>>) dst(%dma_wait3A_16 : memref<632x128xf32, #tpu.memory_space<hbm>>)
      tpu.yield
    }) : () -> ()
    return
  }
}

#map = affine_map<(d0, d1) -> (0, 0)>
#map1 = affine_map<(d0, d1) -> (0)>
#map2 = affine_map<(d0, d1) -> (0, 0, 0)>
module attributes {stable_mosaic.version = 14 : i64} {
  func.func @agg_kernel(%arg0: i32, %arg1: i32, %arg2: memref<10000x128xf32, #tpu.memory_space<hbm>>, %arg3: memref<320000xi32, #tpu.memory_space<hbm>>, %arg4: memref<320000xi32, #tpu.memory_space<hbm>>, %arg5: memref<10112x128xf32, #tpu.memory_space<hbm>>, %arg6: memref<2x10112x128xf32, #tpu.memory_space<hbm>>, %arg7: memref<80xi32, #tpu.memory_space<vmem>>, %arg8: memref<80xi32, #tpu.memory_space<vmem>>, %arg9: memref<80x128xf32, #tpu.memory_space<vmem>>, %arg10: memref<10112x128xf32, #tpu.memory_space<vmem_shared>>, %arg11: memref<!tpu.dma_semaphore, #tpu.memory_space<semaphore_mem>>) attributes {dimension_semantics = [#tpu.dimension_semantics<core_parallel>, #tpu.dimension_semantics<subcore_parallel>], iteration_bounds = array<i64: 2, 16>, scalar_prefetch = 0 : i64, scratch_operands = 5 : i64, tpu.core_type = #tpu.core_type<sc_vector_subcore>, window_params = [{transform_indices = #map}, {transform_indices = #map1}, {transform_indices = #map1}, {transform_indices = #map}, {transform_indices = #map2}]} {
    %mul3A = arith.constant 632 : i32
    %mul3A_0 = arith.muli %arg1, %mul3A : i32
    "tpu.region"() ({
      %run_scoped3A = tpu.sem_alloc : memref<!tpu.dma_semaphore, #tpu.memory_space<semaphore_mem>>
      %dma_start3A = arith.constant 0 : i32
      %dma_start3A_11 = tpu.memref_slice %arg10[%mul3A_0, %dma_start3A] : memref<10112x128xf32, #tpu.memory_space<vmem_shared>> -> memref<632x128xf32, #tpu.memory_space<vmem_shared>>
      %dma_start3A_12 = arith.constant 0 : i32
      %dma_start3A_13 = tpu.memref_slice %arg5[%mul3A_0, %dma_start3A_12] : memref<10112x128xf32, #tpu.memory_space<hbm>> -> memref<632x128xf32, #tpu.memory_space<hbm>>
      tpu.enqueue_dma source(%dma_start3A_13 : memref<632x128xf32, #tpu.memory_space<hbm>>) target(%dma_start3A_11 : memref<632x128xf32, #tpu.memory_space<vmem_shared>>) target_semaphore(%run_scoped3A : memref<!tpu.dma_semaphore, #tpu.memory_space<semaphore_mem>>)
      %dma_wait3A = arith.constant 0 : i32
      %dma_wait3A_14 = tpu.memref_slice %arg10[%mul3A_0, %dma_wait3A] : memref<10112x128xf32, #tpu.memory_space<vmem_shared>> -> memref<632x128xf32, #tpu.memory_space<vmem_shared>>
      %dma_wait3A_15 = arith.constant 0 : i32
      %dma_wait3A_16 = tpu.memref_slice %arg5[%mul3A_0, %dma_wait3A_15] : memref<10112x128xf32, #tpu.memory_space<hbm>> -> memref<632x128xf32, #tpu.memory_space<hbm>>
      tpu.wait_dma2 semaphore(%run_scoped3A : memref<!tpu.dma_semaphore, #tpu.memory_space<semaphore_mem>>) src(%dma_wait3A_16 : memref<632x128xf32, #tpu.memory_space<hbm>>) dst(%dma_wait3A_14 : memref<632x128xf32, #tpu.memory_space<vmem_shared>>)
      tpu.yield
    }) : () -> ()
    %barrier3A = arith.constant 0 : index
    tpu.barrier barrier_id(%barrier3A)
    %mul3A_1 = arith.constant 2 : i32
    %mul3A_2 = arith.muli %arg1, %mul3A_1 : i32
    %add3A = arith.addi %mul3A_2, %arg0 : i32
    %mul3A_3 = arith.constant 10000 : i32
    %mul3A_4 = arith.muli %add3A, %mul3A_3 : i32
    %scan3A = arith.constant 0 : i32
    %scan3A_5 = arith.constant 0 : i32
    %scan3A_6 = arith.constant 125 : i32
    %scan3A_7 = arith.addi %scan3A_5, %scan3A_6 : i32
    %scan3A_8 = arith.constant 1 : i32
    scf.for %scan3A_11 = %scan3A_5 to %scan3A_7 step %scan3A_8  : i32 {
      %mul3A_12 = arith.constant 80 : i32
      %mul3A_13 = arith.muli %scan3A_11, %mul3A_12 : i32
      %add3A_14 = arith.addi %mul3A_4, %mul3A_13 : i32
      "tpu.region"() ({
        %run_scoped3A = tpu.sem_alloc : memref<!tpu.dma_semaphore, #tpu.memory_space<semaphore_mem>>
        %dma_start3A_19 = tpu.memref_slice %arg3[%add3A_14] : memref<320000xi32, #tpu.memory_space<hbm>> -> memref<80xi32, #tpu.memory_space<hbm>>
        %dma_start3A_20 = tpu.memref_slice %arg3[%add3A_14] : memref<320000xi32, #tpu.memory_space<hbm>> -> memref<80xi32, #tpu.memory_space<hbm>>
        tpu.enqueue_dma source(%dma_start3A_20 : memref<80xi32, #tpu.memory_space<hbm>>) target(%arg7 : memref<80xi32, #tpu.memory_space<vmem>>) target_semaphore(%run_scoped3A : memref<!tpu.dma_semaphore, #tpu.memory_space<semaphore_mem>>)
        %dma_wait3A_21 = tpu.memref_slice %arg3[%add3A_14] : memref<320000xi32, #tpu.memory_space<hbm>> -> memref<80xi32, #tpu.memory_space<hbm>>
        %dma_wait3A_22 = tpu.memref_slice %arg3[%add3A_14] : memref<320000xi32, #tpu.memory_space<hbm>> -> memref<80xi32, #tpu.memory_space<hbm>>
        tpu.wait_dma2 semaphore(%run_scoped3A : memref<!tpu.dma_semaphore, #tpu.memory_space<semaphore_mem>>) src(%dma_wait3A_22 : memref<80xi32, #tpu.memory_space<hbm>>) dst(%arg7 : memref<80xi32, #tpu.memory_space<vmem>>)
        tpu.yield
      }) : () -> ()
      "tpu.region"() ({
        %run_scoped3A = tpu.sem_alloc : memref<!tpu.dma_semaphore, #tpu.memory_space<semaphore_mem>>
        %dma_start3A_19 = tpu.memref_slice %arg4[%add3A_14] : memref<320000xi32, #tpu.memory_space<hbm>> -> memref<80xi32, #tpu.memory_space<hbm>>
        %dma_start3A_20 = tpu.memref_slice %arg4[%add3A_14] : memref<320000xi32, #tpu.memory_space<hbm>> -> memref<80xi32, #tpu.memory_space<hbm>>
        tpu.enqueue_dma source(%dma_start3A_20 : memref<80xi32, #tpu.memory_space<hbm>>) target(%arg8 : memref<80xi32, #tpu.memory_space<vmem>>) target_semaphore(%run_scoped3A : memref<!tpu.dma_semaphore, #tpu.memory_space<semaphore_mem>>)
        %dma_wait3A_21 = tpu.memref_slice %arg4[%add3A_14] : memref<320000xi32, #tpu.memory_space<hbm>> -> memref<80xi32, #tpu.memory_space<hbm>>
        %dma_wait3A_22 = tpu.memref_slice %arg4[%add3A_14] : memref<320000xi32, #tpu.memory_space<hbm>> -> memref<80xi32, #tpu.memory_space<hbm>>
        tpu.wait_dma2 semaphore(%run_scoped3A : memref<!tpu.dma_semaphore, #tpu.memory_space<semaphore_mem>>) src(%dma_wait3A_22 : memref<80xi32, #tpu.memory_space<hbm>>) dst(%arg8 : memref<80xi32, #tpu.memory_space<vmem>>)
        tpu.yield
      }) : () -> ()
      %dma_start3A = arith.constant 0 : i32
      %dma_start3A_15 = arith.constant 0 : i32
      %dma_start3A_16 = tpu.memref_slice %arg2[%dma_start3A, %dma_start3A_15] : memref<10000x128xf32, #tpu.memory_space<hbm>> -> memref<10000x128xf32, #tpu.memory_space<hbm>>
      tpu.enqueue_indirect_dma source(%dma_start3A_16 : memref<10000x128xf32, #tpu.memory_space<hbm>>) target(%arg9 : memref<80x128xf32, #tpu.memory_space<vmem>>) offsets(%arg7 : memref<80xi32, #tpu.memory_space<vmem>>) semaphore(%arg11 : memref<!tpu.dma_semaphore, #tpu.memory_space<semaphore_mem>>)
      %dma_wait3A = arith.constant 0 : i32
      %dma_wait3A_17 = arith.constant 0 : i32
      %dma_wait3A_18 = tpu.memref_slice %arg2[%dma_wait3A, %dma_wait3A_17] : memref<10000x128xf32, #tpu.memory_space<hbm>> -> memref<10000x128xf32, #tpu.memory_space<hbm>>
      tpu.wait_indirect_dma semaphore(%arg11 : memref<!tpu.dma_semaphore, #tpu.memory_space<semaphore_mem>>) src(%dma_wait3A_18 : memref<10000x128xf32, #tpu.memory_space<hbm>>) dst(%arg9 : memref<80x128xf32, #tpu.memory_space<vmem>>)
      "tpu.region"() ({
        %run_scoped3A = tpu.sem_alloc : memref<!tpu.dma_semaphore, #tpu.memory_space<semaphore_mem>>
        %dma_start3A_19 = arith.constant 0 : i32
        %dma_start3A_20 = arith.constant 0 : i32
        %dma_start3A_21 = tpu.memref_slice %arg10[%dma_start3A_19, %dma_start3A_20] : memref<10112x128xf32, #tpu.memory_space<vmem_shared>> -> memref<10112x128xf32, #tpu.memory_space<vmem_shared>>
        tpu.enqueue_indirect_dma source(%arg9 : memref<80x128xf32, #tpu.memory_space<vmem>>) target(%dma_start3A_21 : memref<10112x128xf32, #tpu.memory_space<vmem_shared>>) offsets(%arg8 : memref<80xi32, #tpu.memory_space<vmem>>) semaphore(%run_scoped3A : memref<!tpu.dma_semaphore, #tpu.memory_space<semaphore_mem>>) {add = true}
        %dma_wait3A_22 = arith.constant 0 : i32
        %dma_wait3A_23 = arith.constant 0 : i32
        %dma_wait3A_24 = tpu.memref_slice %arg10[%dma_wait3A_22, %dma_wait3A_23] : memref<10112x128xf32, #tpu.memory_space<vmem_shared>> -> memref<10112x128xf32, #tpu.memory_space<vmem_shared>>
        tpu.wait_indirect_dma semaphore(%run_scoped3A : memref<!tpu.dma_semaphore, #tpu.memory_space<semaphore_mem>>) src(%arg9 : memref<80x128xf32, #tpu.memory_space<vmem>>) dst(%dma_wait3A_24 : memref<10112x128xf32, #tpu.memory_space<vmem_shared>>)
        tpu.yield
      }) : () -> ()
    }
    %scan3A_9 = arith.constant 125 : i32
    %barrier3A_10 = arith.constant 0 : index
    tpu.barrier barrier_id(%barrier3A_10)
    "tpu.region"() ({
      %run_scoped3A = tpu.sem_alloc : memref<!tpu.dma_semaphore, #tpu.memory_space<semaphore_mem>>
      %dma_start3A = arith.constant 0 : i32
      %dma_start3A_11 = tpu.memref_slice %arg6[%arg0, %mul3A_0, %dma_start3A] : memref<2x10112x128xf32, #tpu.memory_space<hbm>> -> memref<1x632x128xf32, #tpu.memory_space<hbm>>
      %dma_start3A_12 = tpu.memref_squeeze %dma_start3A_11 : memref<1x632x128xf32, #tpu.memory_space<hbm>> -> memref<632x128xf32, #tpu.memory_space<hbm>>
      %dma_start3A_13 = arith.constant 0 : i32
      %dma_start3A_14 = tpu.memref_slice %arg10[%mul3A_0, %dma_start3A_13] : memref<10112x128xf32, #tpu.memory_space<vmem_shared>> -> memref<632x128xf32, #tpu.memory_space<vmem_shared>>
      tpu.enqueue_dma source(%dma_start3A_14 : memref<632x128xf32, #tpu.memory_space<vmem_shared>>) target(%dma_start3A_12 : memref<632x128xf32, #tpu.memory_space<hbm>>) target_semaphore(%run_scoped3A : memref<!tpu.dma_semaphore, #tpu.memory_space<semaphore_mem>>)
      %dma_wait3A = arith.constant 0 : i32
      %dma_wait3A_15 = tpu.memref_slice %arg6[%arg0, %mul3A_0, %dma_wait3A] : memref<2x10112x128xf32, #tpu.memory_space<hbm>> -> memref<1x632x128xf32, #tpu.memory_space<hbm>>
      %dma_wait3A_16 = tpu.memref_squeeze %dma_wait3A_15 : memref<1x632x128xf32, #tpu.memory_space<hbm>> -> memref<632x128xf32, #tpu.memory_space<hbm>>
      %dma_wait3A_17 = arith.constant 0 : i32
      %dma_wait3A_18 = tpu.memref_slice %arg10[%mul3A_0, %dma_wait3A_17] : memref<10112x128xf32, #tpu.memory_space<vmem_shared>> -> memref<632x128xf32, #tpu.memory_space<vmem_shared>>
      tpu.wait_dma2 semaphore(%run_scoped3A : memref<!tpu.dma_semaphore, #tpu.memory_space<semaphore_mem>>) src(%dma_wait3A_18 : memref<632x128xf32, #tpu.memory_space<vmem_shared>>) dst(%dma_wait3A_16 : memref<632x128xf32, #tpu.memory_space<hbm>>)
      tpu.yield
    }) : () -> ()
    return
  }
}

module attributes {stable_mosaic.version = 14 : i64} {
  func.func @_prep_body(%arg0: i32, %arg1: memref<2x1000x16xf32, #tpu.memory_space<vmem>>, %arg2: memref<1000x128xf32, #tpu.memory_space<vmem>>, %arg3: memref<128x128xf32, #tpu.memory_space<vmem>>, %arg4: memref<1000x128xf32, #tpu.memory_space<vmem>>, %arg5: memref<1000x1xf32, #tpu.memory_space<vmem>>) attributes {dimension_semantics = [#tpu.dimension_semantics<arbitrary>], iteration_bounds = array<i64: 10>, scalar_prefetch = 0 : i64, scratch_operands = 0 : i64, tpu.core_type = #tpu.core_type<tc>, window_params = [{transform_indices = @transform_0, window_bounds = array<i64: 2, 1000, 16>}, {transform_indices = @transform_1, window_bounds = array<i64: 1000, 128>}, {pipeline_mode = #tpu.pipeline_mode<synchronous>, transform_indices = @transform_2, window_bounds = array<i64: 128, 128>}, {transform_indices = @transform_3, window_bounds = array<i64: 1000, 128>}, {transform_indices = @transform_4, window_bounds = array<i64: 1000, 1>}]} {
    %get3A = arith.constant 0 : index
    %get3A_0 = arith.constant 0 : index
    %get3A_1 = arith.constant 0 : index
    %get3A_2 = vector.load %arg1[%get3A, %get3A_0, %get3A_1] : memref<2x1000x16xf32, #tpu.memory_space<vmem>>, vector<1x1000x1xf32>
    %get3A_3 = vector.shape_cast %get3A_2 : vector<1x1000x1xf32> to vector<1000x1xf32>
    %get3A_4 = arith.constant 1 : index
    %get3A_5 = arith.constant 0 : index
    %get3A_6 = arith.constant 0 : index
    %get3A_7 = vector.load %arg1[%get3A_4, %get3A_5, %get3A_6] : memref<2x1000x16xf32, #tpu.memory_space<vmem>>, vector<1x1000x1xf32>
    %get3A_8 = vector.shape_cast %get3A_7 : vector<1x1000x1xf32> to vector<1000x1xf32>
    %add3A = arith.addf %get3A_3, %get3A_8 : vector<1000x1xf32>
    %add3A_9 = arith.constant 1.000000e+00 : f32
    %add3A_10 = vector.broadcast %add3A_9 : f32 to vector<1000x1xf32>
    %add3A_11 = arith.addf %add3A, %add3A_10 : vector<1000x1xf32>
    %rsqrt3A = math.rsqrt %add3A_11 : vector<1000x1xf32>
    %get3A_12 = arith.constant 0 : index
    %get3A_13 = arith.constant 0 : index
    %get3A_14 = vector.load %arg2[%get3A_12, %get3A_13] : memref<1000x128xf32, #tpu.memory_space<vmem>>, vector<1000x128xf32>
    %get3A_15 = arith.constant 0 : index
    %get3A_16 = arith.constant 0 : index
    %get3A_17 = vector.load %arg3[%get3A_15, %get3A_16] : memref<128x128xf32, #tpu.memory_space<vmem>>, vector<128x128xf32>
    %dot_general3A = arith.constant dense<0.000000e+00> : vector<1000x128xf32>
    %dot_general3A_18 = tpu.matmul %get3A_14, %get3A_17, %dot_general3A {dimension_numbers = #tpu.dot_dimension_numbers<[1], [0], [0], [1], [0, 0, 1, 1], [], []>, transpose_lhs_hint = false} : vector<1000x128xf32>, vector<128x128xf32>, vector<1000x128xf32> -> vector<1000x128xf32>
    %mul3A = vector.broadcast %rsqrt3A : vector<1000x1xf32> to vector<1000x128xf32>
    %mul3A_19 = arith.mulf %dot_general3A_18, %mul3A : vector<1000x128xf32>
    %swap3A = arith.constant 0 : index
    %swap3A_20 = arith.constant 0 : index
    %swap3A_21 = vector.load %arg4[%swap3A, %swap3A_20] : memref<1000x128xf32, #tpu.memory_space<vmem>>, vector<1000x128xf32>
    tpu.vector_store %arg4[%swap3A, %swap3A_20], %mul3A_19 {strides = array<i32>} : memref<1000x128xf32, #tpu.memory_space<vmem>>, vector<1000x128xf32>,
    %swap3A_22 = arith.constant 0 : index
    %swap3A_23 = arith.constant 0 : index
    %swap3A_24 = vector.load %arg5[%swap3A_22, %swap3A_23] : memref<1000x1xf32, #tpu.memory_space<vmem>>, vector<1000x1xf32>
    tpu.vector_store %arg5[%swap3A_22, %swap3A_23], %rsqrt3A {strides = array<i32>} : memref<1000x1xf32, #tpu.memory_space<vmem>>, vector<1000x1xf32>,
    return
  }
  func.func @transform_0(%arg0: i32) -> (i32, i32, i32) {
    %c0_i32 = arith.constant 0 : i32
    %c0_i32_0 = arith.constant 0 : i32
    %c0_i32_1 = arith.constant 0 : i32
    return %c0_i32, %arg0, %c0_i32_0 : i32, i32, i32
  }
  func.func @transform_1(%arg0: i32) -> (i32, i32) {
    %c0_i32 = arith.constant 0 : i32
    %c0_i32_0 = arith.constant 0 : i32
    return %arg0, %c0_i32 : i32, i32
  }
  func.func @transform_2(%arg0: i32) -> (i32, i32) {
    %c0_i32 = arith.constant 0 : i32
    %c0_i32_0 = arith.constant 0 : i32
    %c0_i32_1 = arith.constant 0 : i32
    return %c0_i32, %c0_i32_0 : i32, i32
  }
  func.func @transform_3(%arg0: i32) -> (i32, i32) {
    %c0_i32 = arith.constant 0 : i32
    %c0_i32_0 = arith.constant 0 : i32
    return %arg0, %c0_i32 : i32, i32
  }
  func.func @transform_4(%arg0: i32) -> (i32, i32) {
    %c0_i32 = arith.constant 0 : i32
    %c0_i32_0 = arith.constant 0 : i32
    return %arg0, %c0_i32 : i32, i32
  }
}

module attributes {stable_mosaic.version = 14 : i64} {
  func.func @_mid_body(%arg0: i32, %arg1: memref<2x1000x128xf32, #tpu.memory_space<vmem>>, %arg2: memref<1000x128xf32, #tpu.memory_space<vmem>>, %arg3: memref<1000x1xf32, #tpu.memory_space<vmem>>, %arg4: memref<1x128xf32, #tpu.memory_space<vmem>>, %arg5: memref<128x128xf32, #tpu.memory_space<vmem>>, %arg6: memref<1000x128xf32, #tpu.memory_space<vmem>>) attributes {dimension_semantics = [#tpu.dimension_semantics<arbitrary>], iteration_bounds = array<i64: 10>, scalar_prefetch = 0 : i64, scratch_operands = 0 : i64, tpu.core_type = #tpu.core_type<tc>, window_params = [{transform_indices = @transform_0, window_bounds = array<i64: 2, 1000, 128>}, {transform_indices = @transform_1, window_bounds = array<i64: 1000, 128>}, {transform_indices = @transform_2, window_bounds = array<i64: 1000, 1>}, {pipeline_mode = #tpu.pipeline_mode<synchronous>, transform_indices = @transform_3, window_bounds = array<i64: 1, 128>}, {pipeline_mode = #tpu.pipeline_mode<synchronous>, transform_indices = @transform_4, window_bounds = array<i64: 128, 128>}, {transform_indices = @transform_5, window_bounds = array<i64: 1000, 128>}]} {
    %get3A = arith.constant 0 : index
    %get3A_0 = arith.constant 0 : index
    %get3A_1 = arith.constant 0 : index
    %get3A_2 = vector.load %arg1[%get3A, %get3A_0, %get3A_1] : memref<2x1000x128xf32, #tpu.memory_space<vmem>>, vector<1x1000x128xf32>
    %get3A_3 = vector.shape_cast %get3A_2 : vector<1x1000x128xf32> to vector<1000x128xf32>
    %get3A_4 = arith.constant 1 : index
    %get3A_5 = arith.constant 0 : index
    %get3A_6 = arith.constant 0 : index
    %get3A_7 = vector.load %arg1[%get3A_4, %get3A_5, %get3A_6] : memref<2x1000x128xf32, #tpu.memory_space<vmem>>, vector<1x1000x128xf32>
    %get3A_8 = vector.shape_cast %get3A_7 : vector<1x1000x128xf32> to vector<1000x128xf32>
    %add3A = arith.addf %get3A_3, %get3A_8 : vector<1000x128xf32>
    %get3A_9 = arith.constant 0 : index
    %get3A_10 = arith.constant 0 : index
    %get3A_11 = vector.load %arg2[%get3A_9, %get3A_10] : memref<1000x128xf32, #tpu.memory_space<vmem>>, vector<1000x128xf32>
    %add3A_12 = arith.addf %add3A, %get3A_11 : vector<1000x128xf32>
    %get3A_13 = arith.constant 0 : index
    %get3A_14 = arith.constant 0 : index
    %get3A_15 = vector.load %arg3[%get3A_13, %get3A_14] : memref<1000x1xf32, #tpu.memory_space<vmem>>, vector<1000x1xf32>
    %mul3A = vector.broadcast %get3A_15 : vector<1000x1xf32> to vector<1000x128xf32>
    %mul3A_16 = arith.mulf %add3A_12, %mul3A : vector<1000x128xf32>
    %get3A_17 = arith.constant 0 : index
    %get3A_18 = arith.constant 0 : index
    %get3A_19 = vector.load %arg4[%get3A_17, %get3A_18] : memref<1x128xf32, #tpu.memory_space<vmem>>, vector<1x128xf32>
    %add3A_20 = vector.broadcast %get3A_19 : vector<1x128xf32> to vector<1000x128xf32>
    %add3A_21 = arith.addf %mul3A_16, %add3A_20 : vector<1000x128xf32>
    %max3A = arith.constant 0.000000e+00 : f32
    %max3A_22 = vector.broadcast %max3A : f32 to vector<1000x128xf32>
    %max3A_23 = arith.maximumf %add3A_21, %max3A_22 : vector<1000x128xf32>
    %get3A_24 = arith.constant 0 : index
    %get3A_25 = arith.constant 0 : index
    %get3A_26 = vector.load %arg5[%get3A_24, %get3A_25] : memref<128x128xf32, #tpu.memory_space<vmem>>, vector<128x128xf32>
    %dot_general3A = arith.constant dense<0.000000e+00> : vector<1000x128xf32>
    %dot_general3A_27 = tpu.matmul %max3A_23, %get3A_26, %dot_general3A {dimension_numbers = #tpu.dot_dimension_numbers<[1], [0], [0], [1], [0, 0, 1, 1], [], []>, transpose_lhs_hint = false} : vector<1000x128xf32>, vector<128x128xf32>, vector<1000x128xf32> -> vector<1000x128xf32>
    %get3A_28 = arith.constant 0 : index
    %get3A_29 = arith.constant 0 : index
    %get3A_30 = vector.load %arg3[%get3A_28, %get3A_29] : memref<1000x1xf32, #tpu.memory_space<vmem>>, vector<1000x1xf32>
    %mul3A_31 = vector.broadcast %get3A_30 : vector<1000x1xf32> to vector<1000x128xf32>
    %mul3A_32 = arith.mulf %dot_general3A_27, %mul3A_31 : vector<1000x128xf32>
    %swap3A = arith.constant 0 : index
    %swap3A_33 = arith.constant 0 : index
    %swap3A_34 = vector.load %arg6[%swap3A, %swap3A_33] : memref<1000x128xf32, #tpu.memory_space<vmem>>, vector<1000x128xf32>
    tpu.vector_store %arg6[%swap3A, %swap3A_33], %mul3A_32 {strides = array<i32>} : memref<1000x128xf32, #tpu.memory_space<vmem>>, vector<1000x128xf32>,
    return
  }
  func.func @transform_0(%arg0: i32) -> (i32, i32, i32) {
    %c0_i32 = arith.constant 0 : i32
    %c0_i32_0 = arith.constant 0 : i32
    %c0_i32_1 = arith.constant 0 : i32
    return %c0_i32, %arg0, %c0_i32_0 : i32, i32, i32
  }
  func.func @transform_1(%arg0: i32) -> (i32, i32) {
    %c0_i32 = arith.constant 0 : i32
    %c0_i32_0 = arith.constant 0 : i32
    return %arg0, %c0_i32 : i32, i32
  }
  func.func @transform_2(%arg0: i32) -> (i32, i32) {
    %c0_i32 = arith.constant 0 : i32
    %c0_i32_0 = arith.constant 0 : i32
    return %arg0, %c0_i32 : i32, i32
  }
  func.func @transform_3(%arg0: i32) -> (i32, i32) {
    %c0_i32 = arith.constant 0 : i32
    %c0_i32_0 = arith.constant 0 : i32
    %c0_i32_1 = arith.constant 0 : i32
    return %c0_i32, %c0_i32_0 : i32, i32
  }
  func.func @transform_4(%arg0: i32) -> (i32, i32) {
    %c0_i32 = arith.constant 0 : i32
    %c0_i32_0 = arith.constant 0 : i32
    %c0_i32_1 = arith.constant 0 : i32
    return %c0_i32, %c0_i32_0 : i32, i32
  }
  func.func @transform_5(%arg0: i32) -> (i32, i32) {
    %c0_i32 = arith.constant 0 : i32
    %c0_i32_0 = arith.constant 0 : i32
    return %arg0, %c0_i32 : i32, i32
  }
}

module attributes {stable_mosaic.version = 14 : i64} {
  func.func @_final_body(%arg0: i32, %arg1: memref<2x1000x128xf32, #tpu.memory_space<vmem>>, %arg2: memref<1000x128xf32, #tpu.memory_space<vmem>>, %arg3: memref<1000x1xf32, #tpu.memory_space<vmem>>, %arg4: memref<1x128xf32, #tpu.memory_space<vmem>>, %arg5: memref<1000x128xf32, #tpu.memory_space<vmem>>) attributes {dimension_semantics = [#tpu.dimension_semantics<arbitrary>], iteration_bounds = array<i64: 10>, scalar_prefetch = 0 : i64, scratch_operands = 0 : i64, tpu.core_type = #tpu.core_type<tc>, window_params = [{transform_indices = @transform_0, window_bounds = array<i64: 2, 1000, 128>}, {transform_indices = @transform_1, window_bounds = array<i64: 1000, 128>}, {transform_indices = @transform_2, window_bounds = array<i64: 1000, 1>}, {pipeline_mode = #tpu.pipeline_mode<synchronous>, transform_indices = @transform_3, window_bounds = array<i64: 1, 128>}, {transform_indices = @transform_4, window_bounds = array<i64: 1000, 128>}]} {
    %get3A = arith.constant 0 : index
    %get3A_0 = arith.constant 0 : index
    %get3A_1 = arith.constant 0 : index
    %get3A_2 = vector.load %arg1[%get3A, %get3A_0, %get3A_1] : memref<2x1000x128xf32, #tpu.memory_space<vmem>>, vector<1x1000x128xf32>
    %get3A_3 = vector.shape_cast %get3A_2 : vector<1x1000x128xf32> to vector<1000x128xf32>
    %get3A_4 = arith.constant 1 : index
    %get3A_5 = arith.constant 0 : index
    %get3A_6 = arith.constant 0 : index
    %get3A_7 = vector.load %arg1[%get3A_4, %get3A_5, %get3A_6] : memref<2x1000x128xf32, #tpu.memory_space<vmem>>, vector<1x1000x128xf32>
    %get3A_8 = vector.shape_cast %get3A_7 : vector<1x1000x128xf32> to vector<1000x128xf32>
    %add3A = arith.addf %get3A_3, %get3A_8 : vector<1000x128xf32>
    %get3A_9 = arith.constant 0 : index
    %get3A_10 = arith.constant 0 : index
    %get3A_11 = vector.load %arg2[%get3A_9, %get3A_10] : memref<1000x128xf32, #tpu.memory_space<vmem>>, vector<1000x128xf32>
    %add3A_12 = arith.addf %add3A, %get3A_11 : vector<1000x128xf32>
    %get3A_13 = arith.constant 0 : index
    %get3A_14 = arith.constant 0 : index
    %get3A_15 = vector.load %arg3[%get3A_13, %get3A_14] : memref<1000x1xf32, #tpu.memory_space<vmem>>, vector<1000x1xf32>
    %mul3A = vector.broadcast %get3A_15 : vector<1000x1xf32> to vector<1000x128xf32>
    %mul3A_16 = arith.mulf %add3A_12, %mul3A : vector<1000x128xf32>
    %get3A_17 = arith.constant 0 : index
    %get3A_18 = arith.constant 0 : index
    %get3A_19 = vector.load %arg4[%get3A_17, %get3A_18] : memref<1x128xf32, #tpu.memory_space<vmem>>, vector<1x128xf32>
    %add3A_20 = vector.broadcast %get3A_19 : vector<1x128xf32> to vector<1000x128xf32>
    %add3A_21 = arith.addf %mul3A_16, %add3A_20 : vector<1000x128xf32>
    %swap3A = arith.constant 0 : index
    %swap3A_22 = arith.constant 0 : index
    %swap3A_23 = vector.load %arg5[%swap3A, %swap3A_22] : memref<1000x128xf32, #tpu.memory_space<vmem>>, vector<1000x128xf32>
    tpu.vector_store %arg5[%swap3A, %swap3A_22], %add3A_21 {strides = array<i32>} : memref<1000x128xf32, #tpu.memory_space<vmem>>, vector<1000x128xf32>,
    return
  }
  func.func @transform_0(%arg0: i32) -> (i32, i32, i32) {
    %c0_i32 = arith.constant 0 : i32
    %c0_i32_0 = arith.constant 0 : i32
    %c0_i32_1 = arith.constant 0 : i32
    return %c0_i32, %arg0, %c0_i32_0 : i32, i32, i32
  }
  func.func @transform_1(%arg0: i32) -> (i32, i32) {
    %c0_i32 = arith.constant 0 : i32
    %c0_i32_0 = arith.constant 0 : i32
    return %arg0, %c0_i32 : i32, i32
  }
  func.func @transform_2(%arg0: i32) -> (i32, i32) {
    %c0_i32 = arith.constant 0 : i32
    %c0_i32_0 = arith.constant 0 : i32
    return %arg0, %c0_i32 : i32, i32
  }
  func.func @transform_3(%arg0: i32) -> (i32, i32) {
    %c0_i32 = arith.constant 0 : i32
    %c0_i32_0 = arith.constant 0 : i32
    %c0_i32_1 = arith.constant 0 : i32
    return %c0_i32, %c0_i32_0 : i32, i32
  }
  func.func @transform_4(%arg0: i32) -> (i32, i32) {
    %c0_i32 = arith.constant 0 : i32
    %c0_i32_0 = arith.constant 0 : i32
    return %arg0, %c0_i32 : i32, i32
  }
}

</mosaic_0001>

<sc_bundles>
// kernel: kernel.11.cloned.1.call-start
scs
__scs_entry_jumppad:
0x0: {  	(pc) =	sbr.rel $0x88, $3  }
0x1: {  	(tag) =	ssettag $0x0;
	lr =	simm.s32 $0x1  }
0x2: {  	[smem:$0x3F9B] =	sst lr;
	_ =	strace $0xD0000000  }
0x3: {  	_ = 	snop  }
0x4: {  	_ = 	snop  }
0x5: {  	_ = 	snop  }
0x6: {  	_ = 	snop  }
0x7: {  	_ = 	snop  }
__scs_overlays_trampoline_lowered:
0x8: {  	[smem:$0x3FAA] =	sst s0  }
0x9: {  	[smem:$0x3FAB] =	sst s1  }
0xa: {  	[smem:$0x3FAC] =	sst s2  }
0xb: {  	[smem:$0x3FAD] =	sst s3  }
0xc: {  	[smem:$0x3FAE] =	sst s4  }
0xd: {  	[smem:$0x3FAF] =	sst s5  }
0xe: {  	[smem:$0x3FB0] =	sst s6  }
0xf: {  	[smem:$0x3FB1] =	sst s7  }
0x10: {  	[smem:$0x3FB2] =	sst s8  }
0x11: {  	[smem:$0x3FB3] =	sst s9;
	s0 =	simm.s32 @!p0 $0x0  }
0x12: {  	s1 =	sld [smem:$0x3F99];
	s0 =	simm.s32 @p0 $0x1  }
0x13: {  	[smem:$0x3FB4] =	sst s0;
	s0 =	simm.s32 @!p1 $0x0  }
0x14: {  	s2 =	sld [smem:$0x3F98];
	s0 =	simm.s32 @p1 $0x1  }
0x15: {  	[smem:$0x3FB5] =	sst s0;
	s0 =	simm.s32 @!p2 $0x0  }
0x16: {  	s3 =	sld [smem:$0x3FDB];
	s0 =	simm.s32 @p2 $0x1  }
0x17: {  	s4 =	simm.s32 $0x1BF5;
	[smem:$0x3FB7] =	sst s0  }
0x18: {  	s0 =	sld [smem:$0x3F9A];
	_ =	swait.ge [sflag:s4], $0x0  }
0x19: {  	s7 =	sld [smem:$0x3F9B]  }
0x1a: {  	s8 =	sadd.s32 $0xFFFFE003, lr  }
0x1b: {  	s9 =	sadd.s32 $0xFFFFFEF7, lr;
	s5 =	simm.s32 $0xFFFFFFFF;
	p2 =	slt.u32 s8, $0xFFFFF086  }
0x1c: {  	p1 =	slt.u32 s9, $0xF7A;
	s5 =	simm.s32 @!p2 $0x0  }
0x1d: {  	s5 =	simm.s32 @p1 $0x1;
	p0 =	seq.s32 s7, s2  }
0x1e: {  	s7 =	smul.u32 @!p0 $0xF7A, s2;
	p2 =	seq.s32 @!p0 s5, $0x0  }
0x1f: {  	s9 =	smul.u32 $0xF7A, s1;
	s8 =	simm.s32 @!p0 $0x1BF5;
	p2 =	por !p2, p0  }
0x20: {  	[sflag:s8] =	ssyncset.s32 @!p0 $0xFFFFF086;
	s6 =	sadd.s32 @!p0 s3, s7;
	s7 =	simm.s32 @!p0 $0x108  }
0x21: {  	s3 =	sadd.s32 s3, s9;
	s6 =	sadd.s32 @!p0 $0x88, s6;
	s7 =	simm.s32 @p2 $0x1082  }
0x22: {  	[simem:s7], [sflag:s8] =	dma.local @!p0 [hbm:s6], $0xF7A  }
0x23: {  	s9 =	sor.u32 $0xD0000000, s2;
	s6 =	simm.s32 $0x108;
	_ =	swait.ge @!p0 [sflag:s8], $0x0  }
0x24: {  	s3 =	sadd.s32 $0x88, s3;
	s6 =	simm.s32 @!p1 $0x1082;
	[sflag:s4] =	ssyncset.s32 $0xFFFFF086  }
0x25: {  	[simem:s6], [sflag:s4] =	dma.local [hbm:s3], $0xF7A  }
0x26: {  	[smem:$0x3F9B] =	sst s1;
	(tag) =	ssettag s2;
	_ =	strace s9  }
0x27: {  	s1 =	sld [smem:$0x3FAB]  }
0x28: {  	s2 =	sld [smem:$0x3FAC]  }
0x29: {  	s4 =	sld [smem:$0x3FAE]  }
0x2a: {  	p0 =	seq.s32 s5, $0x0;
	s5 =	sld [smem:$0x3FAF]  }
0x2b: {  	s6 =	sld [smem:$0x3FB0]  }
0x2c: {  	s7 =	sld [smem:$0x3FB1]  }
0x2d: {  	s3 =	simm.s32 $0x108;
	s8 =	sld [smem:$0x3FB2]  }
0x2e: {  	s3 =	simm.s32 @!p0 $0x1082;
	s9 =	sld [smem:$0x3FB3]  }
0x2f: {  	lr =	sadd.s32 s0, s3;
	s0 =	sld [smem:$0x3FAA]  }
0x30: {  	s3 =	sld [smem:$0x3FAD]  }
0x31: {  	[smem:$0x3FB6] =	sst s10  }
0x32: {  	s10 =	sld [smem:$0x3FB4];
	_ =	sdelay $0x3  }
0x33: {  	p0 =	seq.s32 s10, $0x1;
	s10 =	sld [smem:$0x3FB6];
	_ =	sdelay $0x3  }
0x34: {  	[smem:$0x3FB6] =	sst s10  }
0x35: {  	s10 =	sld [smem:$0x3FB5];
	_ =	sdelay $0x3  }
0x36: {  	p1 =	seq.s32 s10, $0x1;
	s10 =	sld [smem:$0x3FB6];
	_ =	sdelay $0x3  }
0x37: {  	[smem:$0x3FB6] =	sst s10  }
0x38: {  	s10 =	sld [smem:$0x3FB7]  }
0x39: {  	_ = 	snop;
	(pc) =	sbr.ind lr, $3  }
0x3a: {  	_ = 	snop  }
0x3b: {  	_ = 	snop  }
0x3c: {  	p2 =	seq.s32 s10, $0x1;
	s10 =	sld [smem:$0x3FB6]  }
0x3d: {  	_ =	shalt  }
0x3e: {  	_ =	shalt  }
0x3f: {  	_ =	shalt  }
0x40: {  	_ =	shalt  }
0x41: {  	_ =	shalt  }
0x42: {  	_ =	shalt  }
0x43: {  	_ =	shalt  }
0x44: {  	_ =	shalt  }
0x45: {  	_ =	shalt  }
0x46: {  	_ =	shalt  }
0x47: {  	_ =	shalt  }
0x48: {  	_ =	shalt  }
0x49: {  	_ =	shalt  }
0x4a: {  	_ =	shalt  }
0x4b: {  	_ =	shalt  }
0x4c: {  	_ =	shalt  }
0x4d: {  	_ =	shalt  }
0x4e: {  	_ =	shalt  }
0x4f: {  	_ =	shalt  }
0x50: {  	_ =	shalt  }
0x51: {  	_ =	shalt  }
0x52: {  	_ =	shalt  }
0x53: {  	_ =	shalt  }
0x54: {  	_ =	shalt  }
0x55: {  	_ =	shalt  }
0x56: {  	_ =	shalt  }
0x57: {  	_ =	shalt  }
0x58: {  	_ =	shalt  }
0x59: {  	_ =	shalt  }
0x5a: {  	_ =	shalt  }
0x5b: {  	_ =	shalt  }
0x5c: {  	_ =	shalt  }
0x5d: {  	_ =	shalt  }
0x5e: {  	_ =	shalt  }
0x5f: {  	_ =	shalt  }
0x60: {  	_ =	shalt  }
0x61: {  	_ =	shalt  }
0x62: {  	_ =	shalt  }
0x63: {  	_ =	shalt  }
0x64: {  	_ =	shalt  }
0x65: {  	_ =	shalt  }
0x66: {  	_ =	shalt  }
0x67: {  	_ =	shalt  }
0x68: {  	_ =	shalt  }
0x69: {  	_ =	shalt  }
0x6a: {  	_ =	shalt  }
0x6b: {  	_ =	shalt  }
0x6c: {  	_ =	shalt  }
0x6d: {  	_ =	shalt  }
0x6e: {  	_ =	shalt  }
0x6f: {  	_ =	shalt  }
0x70: {  	_ =	shalt  }
0x71: {  	_ =	shalt  }
0x72: {  	_ =	shalt  }
0x73: {  	_ =	shalt  }
0x74: {  	_ =	shalt  }
0x75: {  	_ =	shalt  }
0x76: {  	_ =	shalt  }
0x77: {  	_ =	shalt  }
0x78: {  	_ =	shalt  }
0x79: {  	_ =	shalt  }
0x7a: {  	_ =	shalt  }
0x7b: {  	_ =	shalt  }
0x7c: {  	_ =	shalt  }
0x7d: {  	_ =	shalt  }
0x7e: {  	_ =	shalt  }
0x7f: {  	_ =	shalt  }
0x80: {  	_ =	shalt  }
0x81: {  	_ =	shalt  }
0x82: {  	_ =	shalt  }
0x83: {  	_ =	shalt  }
0x84: {  	_ =	shalt  }
0x85: {  	_ =	shalt  }
0x86: {  	_ =	shalt  }
0x87: {  	_ =	shalt  }
.Lfunc_end0:
.L_simem_size_0:
called_computation.1_lowered:
.L_overlay_start_0:
0x88: {  	s2 =	sld [smem:$0x3FD9]  }
0x89: {  	s3 =	sld [smem:$0x3FFE];
	_ =	sdelay $0x1  }
0x8a: {  	s1 =	srdreg.scid  }
0x8b: {  	s0 =	sand.u32 $0x1, s1  }
0x8c: {  	s17 =	sshll.u32 s0, $0xA;
	s2 =	sadd.s32 s3, s2  }
0x8d: {  	s2 =	sadd.s32 s2, s17  }
0x8e: {  	[smem:$0x3FC2] =	sst s2  }
0x8f: {  	_ = 	snop  }
0x90: {  	s2 =	sld [smem:$0x3FD0];
	(tm) =	ssettm $0x1  }
0x91: {  	s18 =	sld [smem:$0x3FFB];
	_ =	sdelay $0x3  }
0x92: {  	_ =	strace s18  }
0x93: {  	s3 =	sld [smem:$0x3FFC];
	_ =	sdelay $0x3  }
0x94: {  	_ =	strace s3  }
0x95: {  	s3 =	sld [smem:$0x3FFD];
	_ =	sdelay $0x3  }
0x96: {  	_ =	strace s3  }
0x97: {  	_ =	strace $0x8FFFFFFF  }
0x98: {  	s19 =	sld [smem:$0x3FDB];
	_ =	sdelay $0x1  }
0x99: {  	s4 =	simm.s32 $_scs_section_size  }
0x9a: {  	s5 =	simm.s32 $_size__tile_overlayer_lowered;
	s6 =	simm.s32 $_tile_overlayer_lowered  }
0x9b: {  	s22 =	simm.s32 $0x1BFF;
	s21 =	sshll.u32 s6, $0x1;
	s3 =	sadd.s32 s4, s19  }
0x9c: {  	s7 =	simm.s32 $0x0;
	s20 =	sshll.u32 s5, $0x1;
	s5 =	sadd.s32 s21, s3  }
0x9d: {  	[timem:s7], [sflag:s22] =	dma.local [hbm:s5], s20  }
0x9e: {  	_ =	swait.ge [sflag:s22], s20  }
0x9f: {  	s4 =	ssub.s32 $0x0, s20;
	[sflag:s22] =	ssyncset.done $0x0  }
0xa0: {  	[sflag:s22] =	ssyncadd.s32 s4;
	_ =	sdelay $0x1  }
0xa1: {  	s23 =	simm.s32 $0x1B8B  }
0xa2: {  	_ =	swait.ge [sflag:s23], $0x1  }
0xa3: {  	[sflag:s23] =	ssyncset.done $0x0  }
0xa4: {  	s25 =	simm.s32 $0x1B8E;
	s24 =	sld [smem:$0x3FFE];
	[sflag:s23] =	ssyncadd.s32 $0xFFFFFFFF  }
0xa5: {  	s26 =	simm.s32 $execute0_lowered;
	[smem:$0x3FD2] =	sst s25  }
0xa6: {  	s5 =	sshll.u32 s26, $0x1;
	_ =	strace $0x80000049;
	[dreg:$0x1] =	wrdreg $0xFFFFFFFF  }
0xa7: {  	s28 =	simm.s32 $_size_execute0_lowered;
	s3 =	sadd.s32 s3, s5;
	[dreg:$0x0] =	wrdreg $0x0  }
0xa8: {  	s5 =	sshll.u32 s28, $0x1;
	[dreg:$0x2] =	wrdreg s3  }
0xa9: {  	[dreg:$0x3] =	wrdreg s5  }
0xaa: {  	[dreg:$0x4] =	wrdreg $0xC0  }
0xab: {  	_ =	task [dreg:s7], $0x5FFFF  }
0xac: {  	[dreg:$0x1] =	wrdreg $0xFFFFFFFF  }
0xad: {  	[dreg:$0x0] =	wrdreg $0x60  }
0xae: {  	[dreg:$0x2] =	wrdreg s2  }
0xaf: {  	[dreg:$0x3] =	wrdreg s24  }
0xb0: {  	[dreg:$0x4] =	wrdreg $0x29000  }
0xb1: {  	[dreg:$0x5] =	wrdreg $0x9  }
0xb2: {  	_ =	task.clear_ibuf [dreg:s7], $0x6FFFF;
	_ =	strace $0x90000049  }
0xb3: {  	s29 =	simm.s32 $0x9;
	_ =	strace $0x8000004B  }
0xb4: {  	_ =	swait.ge [sflag:s29], $0x1  }
0xb5: {  	[sflag:s29] =	ssyncadd.s32 $0xFFFFFFFF  }
0xb6: {  	_ =	strace $0x9000004B  }
0xb7: {  	_ =	sfence  }
0xb8: {  	s30 =	sld [smem:$0x0];
	_ =	sdelay $0x2  }
0xb9: {  	s31 =	sshll.u32 s1, $0xD;
	s1 =	sshrl.u32 s1, $0x2  }
0xba: {  	s3 =	sand.u32 $0x4000, s31;
	s1 =	sadd.s32 s1, s30  }
0xbb: {  	s0 =	sor.u32 s3, s0;
	s1 =	sshll.u32 s1, $0x11  }
0xbc: {  	s0 =	sor.u32 s1, s0  }
0xbd: {  	s0 =	sadd.s32 $0x8F2B, s0  }
0xbe: {  	[sflag:s0] =	ssyncadd.remote.s32 $0x1  }
0xbf: {  	_ =	sfence.sel $0xFFFF  }
0xc0: {  	[dreg:$0x0] =	wrdreg $0xFFFFFFFF;
	(pc) =	sbr.abs _section_cstart, $3  }
0xc1: {  	[dreg:$0x1] =	wrdreg $0xFFFFFFFF  }
0xc2: {  	_ =	task.clear_ibuf [dreg:s7], $0x2FFFF;
	_ =	strace $0x9FFFFFFF  }
0xc3: {  	(tm) =	ssettm $0x7FFFFFFF  }
tec
execute0_lowered:
.L_overlay_start_1:
0x0: {  	(tag) =	ssettag $0x1  }
0x1: {  	s1 =	rddreg [dreg:$0x0]  }
0x2: {  	s2 =	srdreg.scid;
	s5 =	rddreg [dreg:$0x1]  }
0x3: {  	s0 =	stileid.u32;
	s3 =	rddreg [dreg:$0x2];
	s4 =	simm.s32 $0x0  }
0x4: {  	s13 =	simm.s32 $0x80;
	s14 =	simm.s32 $0x50;
	s7 =	smul.u32 $0x4E20, s0  }
0x5: {  	s15 =	simm.s32 $0x100;
	s16 =	simm.s32 $0x1;
	s26 =	smul.u32 $0x13C00, s0  }
0x6: {  	s6 =	sand.u32 $0x1, s2;
	s2 =	rddreg [dreg:$0x3];
	s29 =	smul.u32 $0x4F000, s0  }
0x7: {  	s17 =	simm.s32 $0x0;
	[smem:$0x7FF] =	sst s4;
	s8 =	smul.u32 $0x2710, s6  }
0x8: {  	s31 =	sshll.u32 s0, $0x6;
	s9 =	smul.u32 $0x13C000, s6;
	s6 =	ssub.s32 $0x2, s6  }
0x9: {  	_ =	strace $0x8000004A;
	s28 =	sshrl.u32 s26, $0x3;
	s11 =	sshrl.u32 s6, $0x1  }
0xa: {  	s30 =	sshrl.u32 s29, $0x2;
	s7 =	sadd.s32 s8, s7;
	s8 =	sadd.s32 s26, s9  }
0xb: {  	s11 =	ssub.s32 s6, s11;
	s12 =	sadd.s32 s30, s3;
	s7 =	sshrl.u32 s7, $0x3  }
0xc: {  	s8 =	sshrl.u32 s8, $0x3;
	s10 =	sadd.s32 s7, s5;
	s7 =	sadd.s32 s28, s5  }
0xd: {  	s6 =	sor.u32 $0x1C02, s31;
	s8 =	sadd.s32 s8, s5;
	s5 =	sadd.s32 $0x16000, s7  }
0xe: {  	s7 =	sadd.s32 $0x3D800, s8;
	s8 =	smax.u32 s11, $0x1;
	s9 =	sadd.s32 $0xC200, s10  }
0xf: {  	s10 =	sadd.s32 $0x2400, s10;
	s11 =	sshrl.u32 s12, $0x3;
	s12 =	simm.s32 $0x2  }
.LBB2_1:
0x10: {  	[spmem:s11], [sflag:s6] =	dma.local [hbm:s5], $0x2780  }
0x11: {  	_ =	swait.ge [sflag:s12], $0x2780  }
0x12: {  	[sflag:s12] =	ssyncset.done $0x0  }
0x13: {  	[sflag:s12] =	ssyncadd.s32 $0xFFFFD880  }
0x14: {  	s18 =	sadd.s32 $0x0, s10;
	[bflag:$0x0] =	sbarrier.arrive $0xFFFF  }
0x15: {  	[tilespmem:s4], [sflag:$0x2] =	stream.linear.gather [hbm4b:s18+s4], $0x50, $0x38;
	[tilespmem:$0x16500] =	vst v63  }
0x16: {  	_ =	swait.ge [sflag:s12], $0x50  }
0x17: {  	[sflag:s12] =	ssyncset.done $0x0  }
0x18: {  	s31 =	sadd.s32 $0x0, s9;
	[sflag:s12] =	ssyncadd.s32 $0xFFFFFFB0  }
0x19: {  	[tilespmem:s13], [sflag:$0x2] =	stream.linear.gather [hbm4b:s31+s4], $0x50, $0x38;
	[tilespmem:$0x16500] =	vst v63  }
0x1a: {  	_ =	swait.ge [sflag:s12], $0x50  }
0x1b: {  	[sflag:s12] =	ssyncset.done $0x0  }
0x1c: {  	[sflag:s12] =	ssyncadd.s32 $0xFFFFFFB0  }
0x1d: {  	[tilespmem:s15], [sflag:$0x1] =	stream.indirect.gather [hbm4b:s1+s14], $0x80, s4, s14, $0xb8;
	[tilespmem:$0x16500] =	vst v63  }
0x1e: {  	_ =	swait.ge [sflag:s16], $0x2800  }
0x1f: {  	[sflag:s16] =	ssyncset.done $0x0  }
0x20: {  	[sflag:s16] =	ssyncadd.s32 $0xFFFFD800  }
0x21: {  	[spmem:s3] =	stream.indirect.scatter.add.f32 [tilespmem:s15], [sflag:$0x2], $0x80, s13, s14, $0xb8;
	[tilespmem:$0x16500] =	vst v63  }
0x22: {  	_ =	swait.ge [sflag:s12], $0x2800  }
0x23: {  	s19 =	simm.s32 $0x14;
	s18 =	simm.s32 $0xA;
	[sflag:s12] =	ssyncset.done $0x0  }
.LBB2_2:
0x24: {  	s20 =	sadd.s32 s18, s10  }
0x25: {  	[sflag:s12] =	ssyncadd.s32 $0xFFFFD800;
	s21 =	smov.u32 s19;
	s22 =	sadd.s32 $0xA, s19  }
0x26: {  	[tilespmem:s4], [sflag:$0x2] =	stream.linear.gather [hbm4b:s20+s4], $0x50, $0x38;
	[tilespmem:$0x16500] =	vst v63  }
0x27: {  	p0 =	sne.s32 s19, $0x4D8;
	_ =	swait.ge [sflag:s12], $0x50  }
0x28: {  	[sflag:s12] =	ssyncset.done $0x0  }
0x29: {  	s19 =	sadd.s32 s18, s9;
	s18 =	smov.u32 s21;
	[sflag:s12] =	ssyncadd.s32 $0xFFFFFFB0  }
0x2a: {  	[tilespmem:s13], [sflag:$0x2] =	stream.linear.gather [hbm4b:s19+s4], $0x50, $0x38;
	[tilespmem:$0x16500] =	vst v63  }
0x2b: {  	_ =	swait.ge [sflag:s12], $0x50  }
0x2c: {  	[sflag:s12] =	ssyncset.done $0x0  }
0x2d: {  	[sflag:s12] =	ssyncadd.s32 $0xFFFFFFB0  }
0x2e: {  	[tilespmem:s15], [sflag:$0x1] =	stream.indirect.gather [hbm4b:s1+s14], $0x80, s4, s14, $0xb8;
	[tilespmem:$0x16500] =	vst v63  }
0x2f: {  	_ =	swait.ge [sflag:s16], $0x2800  }
.Ltmp0:
0x30: {  	[sflag:s16] =	ssyncset.done $0x0;
	(pc) =	sbr.rel @p0 .LBB2_2-.Ltmp0, $4  }
0x31: {  	[sflag:s16] =	ssyncadd.s32 $0xFFFFD800  }
0x32: {  	[spmem:s3] =	stream.indirect.scatter.add.f32 [tilespmem:s15], [sflag:$0x2], $0x80, s13, s14, $0xb8;
	[tilespmem:$0x16500] =	vst v63  }
0x33: {  	_ =	swait.ge [sflag:s12], $0x2800  }
0x34: {  	s19 =	smov.u32 s22;
	[sflag:s12] =	ssyncset.done $0x0  }
0x35: {  	s19 =	sadd.s32 s18, s10;
	[sflag:s12] =	ssyncadd.s32 $0xFFFFD800  }
0x36: {  	[tilespmem:s4], [sflag:$0x2] =	stream.linear.gather [hbm4b:s19+s4], $0x50, $0x38;
	[tilespmem:$0x16500] =	vst v63  }
0x37: {  	_ =	swait.ge [sflag:s12], $0x50  }
0x38: {  	[sflag:s12] =	ssyncset.done $0x0  }
0x39: {  	s31 =	sadd.s32 s18, s9;
	[sflag:s12] =	ssyncadd.s32 $0xFFFFFFB0  }
0x3a: {  	[tilespmem:s13], [sflag:$0x2] =	stream.linear.gather [hbm4b:s31+s4], $0x50, $0x38;
	[tilespmem:$0x16500] =	vst v63  }
0x3b: {  	_ =	swait.ge [sflag:s12], $0x50  }
0x3c: {  	[sflag:s12] =	ssyncset.done $0x0  }
0x3d: {  	[sflag:s12] =	ssyncadd.s32 $0xFFFFFFB0  }
0x3e: {  	[tilespmem:s15], [sflag:$0x1] =	stream.indirect.gather [hbm4b:s1+s14], $0x80, s4, s14, $0xb8;
	[tilespmem:$0x16500] =	vst v63  }
0x3f: {  	_ =	swait.ge [sflag:s16], $0x2800  }
0x40: {  	[sflag:s16] =	ssyncset.done $0x0  }
0x41: {  	[sflag:s16] =	ssyncadd.s32 $0xFFFFD800  }
0x42: {  	[spmem:s3] =	stream.indirect.scatter.add.f32 [tilespmem:s15], [sflag:$0x2], $0x80, s13, s14, $0xb8;
	[tilespmem:$0x16500] =	vst v63  }
0x43: {  	_ =	swait.ge [sflag:s12], $0x2800  }
0x44: {  	s17 =	sadd.s32 $0x1, s17;
	[sflag:s12] =	ssyncset.done $0x0  }
0x45: {  	p0 =	sne.s32 s17, s8;
	[sflag:s12] =	ssyncadd.s32 $0xFFFFD800  }
.Ltmp1:
0x46: {  	[bflag:$0x0] =	sbarrier.arrive $0xFFFF;
	(pc) =	sbr.rel @p0 .LBB2_1-.Ltmp1, $4  }
0x47: {  	[hbm:s7], [sflag:s6] =	dma.local [spmem:s11], $0x2780  }
0x48: {  	_ =	swait.ge [sflag:s12], $0x2780  }
0x49: {  	[sflag:s12] =	ssyncset.done $0x0  }
0x4a: {  	[sflag:s12] =	ssyncadd.s32 $0xFFFFD880  }
0x4b: {  	_ =	sfence.sel $0x180000  }
0x4c: {  	[bflag:$0x0] =	sbarrier.arrive $0xFFFF  }
0x4d: {  	p0 =	sne.s32 s0, $0x0;
	_ =	strace $0x9000004A  }
0x4e: {  	s0 =	sadd.s32 @!p0 $0x100000, s2;
	[bflag:$0x2] =	sbarrier.arrive $0xFFFF  }
0x4f: {  	[sflag:s0] =	ssyncadd.tile.s32 @!p0 $0x1;
	_ =	shalt  }
.Lfunc_end2:
_tile_overlayer_lowered:
.L_overlay_start_2:
0x50: {  	(tag) =	ssettag $0x2  }
0x51: {  	s0 =	rddreg [dreg:$0x0];
	s2 =	stileid.u32  }
0x52: {  	s1 =	rddreg [dreg:$0x1];
	p0 =	sne.s32 s2, $0x0  }
0x53: {  	s3 =	rddreg [dreg:$0x2];
	[bflag:$0x3] =	sbarrier.arrive $0xFFFF;
	s2 =	simm.s32 @!p0 $0x1C02  }
0x54: {  	[timem:s3], [sflag:s2] =	dma.local @!p0 [hbm:s0], s1  }
0x55: {  	s0 =	simm.s32 @!p0 $0x2  }
0x56: {  	_ =	swait.ge @!p0 [sflag:s0], s1  }
0x57: {  	s1 =	ssub.s32 @!p0 $0x0, s1;
	[sflag:s0] =	ssyncset.done @!p0 $0x0  }
0x58: {  	[sflag:s0] =	ssyncadd.s32 @!p0 s1  }
0x59: {  	[bflag:$0x3] =	sbarrier.arrive $0xFFFF  }
0x5a: {  	_ =	shalt  }

// kernel: kernel.14.cloned.1.call-start
scs
__scs_entry_jumppad:
0x0: {  	(pc) =	sbr.rel $0x88, $3  }
0x1: {  	(tag) =	ssettag $0x0;
	lr =	simm.s32 $0x1  }
0x2: {  	[smem:$0x3F9B] =	sst lr;
	_ =	strace $0xD0000000  }
0x3: {  	_ = 	snop  }
0x4: {  	_ = 	snop  }
0x5: {  	_ = 	snop  }
0x6: {  	_ = 	snop  }
0x7: {  	_ = 	snop  }
__scs_overlays_trampoline_lowered:
0x8: {  	[smem:$0x3FAA] =	sst s0  }
0x9: {  	[smem:$0x3FAB] =	sst s1  }
0xa: {  	[smem:$0x3FAC] =	sst s2  }
0xb: {  	[smem:$0x3FAD] =	sst s3  }
0xc: {  	[smem:$0x3FAE] =	sst s4  }
0xd: {  	[smem:$0x3FAF] =	sst s5  }
0xe: {  	[smem:$0x3FB0] =	sst s6  }
0xf: {  	[smem:$0x3FB1] =	sst s7  }
0x10: {  	[smem:$0x3FB2] =	sst s8  }
0x11: {  	[smem:$0x3FB3] =	sst s9;
	s0 =	simm.s32 @!p0 $0x0  }
0x12: {  	s1 =	sld [smem:$0x3F99];
	s0 =	simm.s32 @p0 $0x1  }
0x13: {  	[smem:$0x3FB4] =	sst s0;
	s0 =	simm.s32 @!p1 $0x0  }
0x14: {  	s2 =	sld [smem:$0x3F98];
	s0 =	simm.s32 @p1 $0x1  }
0x15: {  	[smem:$0x3FB5] =	sst s0;
	s0 =	simm.s32 @!p2 $0x0  }
0x16: {  	s3 =	sld [smem:$0x3FDB];
	s0 =	simm.s32 @p2 $0x1  }
0x17: {  	s4 =	simm.s32 $0x1BF5;
	[smem:$0x3FB7] =	sst s0  }
0x18: {  	s0 =	sld [smem:$0x3F9A];
	_ =	swait.ge [sflag:s4], $0x0  }
0x19: {  	s7 =	sld [smem:$0x3F9B]  }
0x1a: {  	s8 =	sadd.s32 $0xFFFFE003, lr  }
0x1b: {  	s9 =	sadd.s32 $0xFFFFFEF7, lr;
	s5 =	simm.s32 $0xFFFFFFFF;
	p2 =	slt.u32 s8, $0xFFFFF086  }
0x1c: {  	p1 =	slt.u32 s9, $0xF7A;
	s5 =	simm.s32 @!p2 $0x0  }
0x1d: {  	s5 =	simm.s32 @p1 $0x1;
	p0 =	seq.s32 s7, s2  }
0x1e: {  	s7 =	smul.u32 @!p0 $0xF7A, s2;
	p2 =	seq.s32 @!p0 s5, $0x0  }
0x1f: {  	s9 =	smul.u32 $0xF7A, s1;
	s8 =	simm.s32 @!p0 $0x1BF5;
	p2 =	por !p2, p0  }
0x20: {  	[sflag:s8] =	ssyncset.s32 @!p0 $0xFFFFF086;
	s6 =	sadd.s32 @!p0 s3, s7;
	s7 =	simm.s32 @!p0 $0x108  }
0x21: {  	s3 =	sadd.s32 s3, s9;
	s6 =	sadd.s32 @!p0 $0x88, s6;
	s7 =	simm.s32 @p2 $0x1082  }
0x22: {  	[simem:s7], [sflag:s8] =	dma.local @!p0 [hbm:s6], $0xF7A  }
0x23: {  	s9 =	sor.u32 $0xD0000000, s2;
	s6 =	simm.s32 $0x108;
	_ =	swait.ge @!p0 [sflag:s8], $0x0  }
0x24: {  	s3 =	sadd.s32 $0x88, s3;
	s6 =	simm.s32 @!p1 $0x1082;
	[sflag:s4] =	ssyncset.s32 $0xFFFFF086  }
0x25: {  	[simem:s6], [sflag:s4] =	dma.local [hbm:s3], $0xF7A  }
0x26: {  	[smem:$0x3F9B] =	sst s1;
	(tag) =	ssettag s2;
	_ =	strace s9  }
0x27: {  	s1 =	sld [smem:$0x3FAB]  }
0x28: {  	s2 =	sld [smem:$0x3FAC]  }
0x29: {  	s4 =	sld [smem:$0x3FAE]  }
0x2a: {  	p0 =	seq.s32 s5, $0x0;
	s5 =	sld [smem:$0x3FAF]  }
0x2b: {  	s6 =	sld [smem:$0x3FB0]  }
0x2c: {  	s7 =	sld [smem:$0x3FB1]  }
0x2d: {  	s3 =	simm.s32 $0x108;
	s8 =	sld [smem:$0x3FB2]  }
0x2e: {  	s3 =	simm.s32 @!p0 $0x1082;
	s9 =	sld [smem:$0x3FB3]  }
0x2f: {  	lr =	sadd.s32 s0, s3;
	s0 =	sld [smem:$0x3FAA]  }
0x30: {  	s3 =	sld [smem:$0x3FAD]  }
0x31: {  	[smem:$0x3FB6] =	sst s10  }
0x32: {  	s10 =	sld [smem:$0x3FB4];
	_ =	sdelay $0x3  }
0x33: {  	p0 =	seq.s32 s10, $0x1;
	s10 =	sld [smem:$0x3FB6];
	_ =	sdelay $0x3  }
0x34: {  	[smem:$0x3FB6] =	sst s10  }
0x35: {  	s10 =	sld [smem:$0x3FB5];
	_ =	sdelay $0x3  }
0x36: {  	p1 =	seq.s32 s10, $0x1;
	s10 =	sld [smem:$0x3FB6];
	_ =	sdelay $0x3  }
0x37: {  	[smem:$0x3FB6] =	sst s10  }
0x38: {  	s10 =	sld [smem:$0x3FB7]  }
0x39: {  	_ = 	snop;
	(pc) =	sbr.ind lr, $3  }
0x3a: {  	_ = 	snop  }
0x3b: {  	_ = 	snop  }
0x3c: {  	p2 =	seq.s32 s10, $0x1;
	s10 =	sld [smem:$0x3FB6]  }
0x3d: {  	_ =	shalt  }
0x3e: {  	_ =	shalt  }
0x3f: {  	_ =	shalt  }
0x40: {  	_ =	shalt  }
0x41: {  	_ =	shalt  }
0x42: {  	_ =	shalt  }
0x43: {  	_ =	shalt  }
0x44: {  	_ =	shalt  }
0x45: {  	_ =	shalt  }
0x46: {  	_ =	shalt  }
0x47: {  	_ =	shalt  }
0x48: {  	_ =	shalt  }
0x49: {  	_ =	shalt  }
0x4a: {  	_ =	shalt  }
0x4b: {  	_ =	shalt  }
0x4c: {  	_ =	shalt  }
0x4d: {  	_ =	shalt  }
0x4e: {  	_ =	shalt  }
0x4f: {  	_ =	shalt  }
0x50: {  	_ =	shalt  }
0x51: {  	_ =	shalt  }
0x52: {  	_ =	shalt  }
0x53: {  	_ =	shalt  }
0x54: {  	_ =	shalt  }
0x55: {  	_ =	shalt  }
0x56: {  	_ =	shalt  }
0x57: {  	_ =	shalt  }
0x58: {  	_ =	shalt  }
0x59: {  	_ =	shalt  }
0x5a: {  	_ =	shalt  }
0x5b: {  	_ =	shalt  }
0x5c: {  	_ =	shalt  }
0x5d: {  	_ =	shalt  }
0x5e: {  	_ =	shalt  }
0x5f: {  	_ =	shalt  }
0x60: {  	_ =	shalt  }
0x61: {  	_ =	shalt  }
0x62: {  	_ =	shalt  }
0x63: {  	_ =	shalt  }
0x64: {  	_ =	shalt  }
0x65: {  	_ =	shalt  }
0x66: {  	_ =	shalt  }
0x67: {  	_ =	shalt  }
0x68: {  	_ =	shalt  }
0x69: {  	_ =	shalt  }
0x6a: {  	_ =	shalt  }
0x6b: {  	_ =	shalt  }
0x6c: {  	_ =	shalt  }
0x6d: {  	_ =	shalt  }
0x6e: {  	_ =	shalt  }
0x6f: {  	_ =	shalt  }
0x70: {  	_ =	shalt  }
0x71: {  	_ =	shalt  }
0x72: {  	_ =	shalt  }
0x73: {  	_ =	shalt  }
0x74: {  	_ =	shalt  }
0x75: {  	_ =	shalt  }
0x76: {  	_ =	shalt  }
0x77: {  	_ =	shalt  }
0x78: {  	_ =	shalt  }
0x79: {  	_ =	shalt  }
0x7a: {  	_ =	shalt  }
0x7b: {  	_ =	shalt  }
0x7c: {  	_ =	shalt  }
0x7d: {  	_ =	shalt  }
0x7e: {  	_ =	shalt  }
0x7f: {  	_ =	shalt  }
0x80: {  	_ =	shalt  }
0x81: {  	_ =	shalt  }
0x82: {  	_ =	shalt  }
0x83: {  	_ =	shalt  }
0x84: {  	_ =	shalt  }
0x85: {  	_ =	shalt  }
0x86: {  	_ =	shalt  }
0x87: {  	_ =	shalt  }
.Lfunc_end0:
.L_simem_size_0:
called_computation.2_lowered:
.L_overlay_start_0:
0x88: {  	s2 =	sld [smem:$0x3FD9]  }
0x89: {  	s3 =	sld [smem:$0x3FFE];
	_ =	sdelay $0x1  }
0x8a: {  	s1 =	srdreg.scid  }
0x8b: {  	s0 =	sand.u32 $0x1, s1  }
0x8c: {  	s17 =	sshll.u32 s0, $0xA;
	s2 =	sadd.s32 s3, s2  }
0x8d: {  	s2 =	sadd.s32 s2, s17  }
0x8e: {  	[smem:$0x3FC2] =	sst s2  }
0x8f: {  	_ = 	snop  }
0x90: {  	s2 =	sld [smem:$0x3FD0];
	(tm) =	ssettm $0x1  }
0x91: {  	s18 =	sld [smem:$0x3FFB];
	_ =	sdelay $0x3  }
0x92: {  	_ =	strace s18  }
0x93: {  	s3 =	sld [smem:$0x3FFC];
	_ =	sdelay $0x3  }
0x94: {  	_ =	strace s3  }
0x95: {  	s3 =	sld [smem:$0x3FFD];
	_ =	sdelay $0x3  }
0x96: {  	_ =	strace s3  }
0x97: {  	_ =	strace $0x8FFFFFFF  }
0x98: {  	s19 =	sld [smem:$0x3FDB];
	_ =	sdelay $0x1  }
0x99: {  	s4 =	simm.s32 $_scs_section_size  }
0x9a: {  	s5 =	simm.s32 $_size__tile_overlayer_lowered;
	s6 =	simm.s32 $_tile_overlayer_lowered  }
0x9b: {  	s22 =	simm.s32 $0x1BFF;
	s21 =	sshll.u32 s6, $0x1;
	s3 =	sadd.s32 s4, s19  }
0x9c: {  	s7 =	simm.s32 $0x0;
	s20 =	sshll.u32 s5, $0x1;
	s5 =	sadd.s32 s21, s3  }
0x9d: {  	[timem:s7], [sflag:s22] =	dma.local [hbm:s5], s20  }
0x9e: {  	_ =	swait.ge [sflag:s22], s20  }
0x9f: {  	s4 =	ssub.s32 $0x0, s20;
	[sflag:s22] =	ssyncset.done $0x0  }
0xa0: {  	[sflag:s22] =	ssyncadd.s32 s4;
	_ =	sdelay $0x1  }
0xa1: {  	s23 =	simm.s32 $0x1B8B  }
0xa2: {  	_ =	swait.ge [sflag:s23], $0x1  }
0xa3: {  	[sflag:s23] =	ssyncset.done $0x0  }
0xa4: {  	s25 =	simm.s32 $0x1B8E;
	s24 =	sld [smem:$0x3FFE];
	[sflag:s23] =	ssyncadd.s32 $0xFFFFFFFF  }
0xa5: {  	s26 =	simm.s32 $execute0_lowered;
	[smem:$0x3FD2] =	sst s25  }
0xa6: {  	s5 =	sshll.u32 s26, $0x1;
	_ =	strace $0x8000004C;
	[dreg:$0x1] =	wrdreg $0xFFFFFFFF  }
0xa7: {  	s28 =	simm.s32 $_size_execute0_lowered;
	s3 =	sadd.s32 s3, s5;
	[dreg:$0x0] =	wrdreg $0x0  }
0xa8: {  	s5 =	sshll.u32 s28, $0x1;
	[dreg:$0x2] =	wrdreg s3  }
0xa9: {  	[dreg:$0x3] =	wrdreg s5  }
0xaa: {  	[dreg:$0x4] =	wrdreg $0xC0  }
0xab: {  	_ =	task [dreg:s7], $0x5FFFF  }
0xac: {  	[dreg:$0x1] =	wrdreg $0xFFFFFFFF  }
0xad: {  	[dreg:$0x0] =	wrdreg $0x60  }
0xae: {  	[dreg:$0x2] =	wrdreg s2  }
0xaf: {  	[dreg:$0x3] =	wrdreg s24  }
0xb0: {  	[dreg:$0x4] =	wrdreg $0x29000  }
0xb1: {  	[dreg:$0x5] =	wrdreg $0x9  }
0xb2: {  	_ =	task.clear_ibuf [dreg:s7], $0x6FFFF;
	_ =	strace $0x9000004C  }
0xb3: {  	s29 =	simm.s32 $0x9;
	_ =	strace $0x8000004E  }
0xb4: {  	_ =	swait.ge [sflag:s29], $0x1  }
0xb5: {  	[sflag:s29] =	ssyncadd.s32 $0xFFFFFFFF  }
0xb6: {  	_ =	strace $0x9000004E  }
0xb7: {  	_ =	sfence  }
0xb8: {  	s30 =	sld [smem:$0x0];
	_ =	sdelay $0x2  }
0xb9: {  	s31 =	sshll.u32 s1, $0xD;
	s1 =	sshrl.u32 s1, $0x2  }
0xba: {  	s3 =	sand.u32 $0x4000, s31;
	s1 =	sadd.s32 s1, s30  }
0xbb: {  	s0 =	sor.u32 s3, s0;
	s1 =	sshll.u32 s1, $0x11  }
0xbc: {  	s0 =	sor.u32 s1, s0  }
0xbd: {  	s0 =	sadd.s32 $0x8F2B, s0  }
0xbe: {  	[sflag:s0] =	ssyncadd.remote.s32 $0x1  }
0xbf: {  	_ =	sfence.sel $0xFFFF  }
0xc0: {  	[dreg:$0x0] =	wrdreg $0xFFFFFFFF;
	(pc) =	sbr.abs _section_cstart, $3  }
0xc1: {  	[dreg:$0x1] =	wrdreg $0xFFFFFFFF  }
0xc2: {  	_ =	task.clear_ibuf [dreg:s7], $0x2FFFF;
	_ =	strace $0x9FFFFFFF  }
0xc3: {  	(tm) =	ssettm $0x7FFFFFFF  }
tec
execute0_lowered:
.L_overlay_start_1:
0x0: {  	(tag) =	ssettag $0x1  }
0x1: {  	s1 =	rddreg [dreg:$0x0]  }
0x2: {  	s2 =	srdreg.scid;
	s5 =	rddreg [dreg:$0x1]  }
0x3: {  	s0 =	stileid.u32;
	s3 =	rddreg [dreg:$0x2];
	s4 =	simm.s32 $0x0  }
0x4: {  	s13 =	simm.s32 $0x80;
	s14 =	simm.s32 $0x50;
	s7 =	smul.u32 $0x4E20, s0  }
0x5: {  	s15 =	simm.s32 $0x100;
	s16 =	simm.s32 $0x1;
	s26 =	smul.u32 $0x13C00, s0  }
0x6: {  	s6 =	sand.u32 $0x1, s2;
	s2 =	rddreg [dreg:$0x3];
	s29 =	smul.u32 $0x4F000, s0  }
0x7: {  	s17 =	simm.s32 $0x0;
	[smem:$0x7FF] =	sst s4;
	s8 =	smul.u32 $0x2710, s6  }
0x8: {  	s31 =	sshll.u32 s0, $0x6;
	s9 =	smul.u32 $0x13C000, s6;
	s6 =	ssub.s32 $0x2, s6  }
0x9: {  	_ =	strace $0x8000004D;
	s28 =	sshrl.u32 s26, $0x3;
	s11 =	sshrl.u32 s6, $0x1  }
0xa: {  	s30 =	sshrl.u32 s29, $0x2;
	s7 =	sadd.s32 s8, s7;
	s8 =	sadd.s32 s26, s9  }
0xb: {  	s11 =	ssub.s32 s6, s11;
	s12 =	sadd.s32 s30, s3;
	s7 =	sshrl.u32 s7, $0x3  }
0xc: {  	s8 =	sshrl.u32 s8, $0x3;
	s10 =	sadd.s32 s7, s5;
	s7 =	sadd.s32 s28, s5  }
0xd: {  	s6 =	sor.u32 $0x1C02, s31;
	s8 =	sadd.s32 s8, s5;
	s5 =	sadd.s32 $0x16000, s7  }
0xe: {  	s7 =	sadd.s32 $0x3D800, s8;
	s8 =	smax.u32 s11, $0x1;
	s9 =	sadd.s32 $0xC200, s10  }
0xf: {  	s10 =	sadd.s32 $0x2400, s10;
	s11 =	sshrl.u32 s12, $0x3;
	s12 =	simm.s32 $0x2  }
.LBB2_1:
0x10: {  	[spmem:s11], [sflag:s6] =	dma.local [hbm:s5], $0x2780  }
0x11: {  	_ =	swait.ge [sflag:s12], $0x2780  }
0x12: {  	[sflag:s12] =	ssyncset.done $0x0  }
0x13: {  	[sflag:s12] =	ssyncadd.s32 $0xFFFFD880  }
0x14: {  	s18 =	sadd.s32 $0x0, s10;
	[bflag:$0x0] =	sbarrier.arrive $0xFFFF  }
0x15: {  	[tilespmem:s4], [sflag:$0x2] =	stream.linear.gather [hbm4b:s18+s4], $0x50, $0x38;
	[tilespmem:$0x16500] =	vst v63  }
0x16: {  	_ =	swait.ge [sflag:s12], $0x50  }
0x17: {  	[sflag:s12] =	ssyncset.done $0x0  }
0x18: {  	s31 =	sadd.s32 $0x0, s9;
	[sflag:s12] =	ssyncadd.s32 $0xFFFFFFB0  }
0x19: {  	[tilespmem:s13], [sflag:$0x2] =	stream.linear.gather [hbm4b:s31+s4], $0x50, $0x38;
	[tilespmem:$0x16500] =	vst v63  }
0x1a: {  	_ =	swait.ge [sflag:s12], $0x50  }
0x1b: {  	[sflag:s12] =	ssyncset.done $0x0  }
0x1c: {  	[sflag:s12] =	ssyncadd.s32 $0xFFFFFFB0  }
0x1d: {  	[tilespmem:s15], [sflag:$0x1] =	stream.indirect.gather [hbm4b:s1+s14], $0x80, s4, s14, $0xb8;
	[tilespmem:$0x16500] =	vst v63  }
0x1e: {  	_ =	swait.ge [sflag:s16], $0x2800  }
0x1f: {  	[sflag:s16] =	ssyncset.done $0x0  }
0x20: {  	[sflag:s16] =	ssyncadd.s32 $0xFFFFD800  }
0x21: {  	[spmem:s3] =	stream.indirect.scatter.add.f32 [tilespmem:s15], [sflag:$0x2], $0x80, s13, s14, $0xb8;
	[tilespmem:$0x16500] =	vst v63  }
0x22: {  	_ =	swait.ge [sflag:s12], $0x2800  }
0x23: {  	s19 =	simm.s32 $0x14;
	s18 =	simm.s32 $0xA;
	[sflag:s12] =	ssyncset.done $0x0  }
.LBB2_2:
0x24: {  	s20 =	sadd.s32 s18, s10  }
0x25: {  	[sflag:s12] =	ssyncadd.s32 $0xFFFFD800;
	s21 =	smov.u32 s19;
	s22 =	sadd.s32 $0xA, s19  }
0x26: {  	[tilespmem:s4], [sflag:$0x2] =	stream.linear.gather [hbm4b:s20+s4], $0x50, $0x38;
	[tilespmem:$0x16500] =	vst v63  }
0x27: {  	p0 =	sne.s32 s19, $0x4D8;
	_ =	swait.ge [sflag:s12], $0x50  }
0x28: {  	[sflag:s12] =	ssyncset.done $0x0  }
0x29: {  	s19 =	sadd.s32 s18, s9;
	s18 =	smov.u32 s21;
	[sflag:s12] =	ssyncadd.s32 $0xFFFFFFB0  }
0x2a: {  	[tilespmem:s13], [sflag:$0x2] =	stream.linear.gather [hbm4b:s19+s4], $0x50, $0x38;
	[tilespmem:$0x16500] =	vst v63  }
0x2b: {  	_ =	swait.ge [sflag:s12], $0x50  }
0x2c: {  	[sflag:s12] =	ssyncset.done $0x0  }
0x2d: {  	[sflag:s12] =	ssyncadd.s32 $0xFFFFFFB0  }
0x2e: {  	[tilespmem:s15], [sflag:$0x1] =	stream.indirect.gather [hbm4b:s1+s14], $0x80, s4, s14, $0xb8;
	[tilespmem:$0x16500] =	vst v63  }
0x2f: {  	_ =	swait.ge [sflag:s16], $0x2800  }
.Ltmp0:
0x30: {  	[sflag:s16] =	ssyncset.done $0x0;
	(pc) =	sbr.rel @p0 .LBB2_2-.Ltmp0, $4  }
0x31: {  	[sflag:s16] =	ssyncadd.s32 $0xFFFFD800  }
0x32: {  	[spmem:s3] =	stream.indirect.scatter.add.f32 [tilespmem:s15], [sflag:$0x2], $0x80, s13, s14, $0xb8;
	[tilespmem:$0x16500] =	vst v63  }
0x33: {  	_ =	swait.ge [sflag:s12], $0x2800  }
0x34: {  	s19 =	smov.u32 s22;
	[sflag:s12] =	ssyncset.done $0x0  }
0x35: {  	s19 =	sadd.s32 s18, s10;
	[sflag:s12] =	ssyncadd.s32 $0xFFFFD800  }
0x36: {  	[tilespmem:s4], [sflag:$0x2] =	stream.linear.gather [hbm4b:s19+s4], $0x50, $0x38;
	[tilespmem:$0x16500] =	vst v63  }
0x37: {  	_ =	swait.ge [sflag:s12], $0x50  }
0x38: {  	[sflag:s12] =	ssyncset.done $0x0  }
0x39: {  	s31 =	sadd.s32 s18, s9;
	[sflag:s12] =	ssyncadd.s32 $0xFFFFFFB0  }
0x3a: {  	[tilespmem:s13], [sflag:$0x2] =	stream.linear.gather [hbm4b:s31+s4], $0x50, $0x38;
	[tilespmem:$0x16500] =	vst v63  }
0x3b: {  	_ =	swait.ge [sflag:s12], $0x50  }
0x3c: {  	[sflag:s12] =	ssyncset.done $0x0  }
0x3d: {  	[sflag:s12] =	ssyncadd.s32 $0xFFFFFFB0  }
0x3e: {  	[tilespmem:s15], [sflag:$0x1] =	stream.indirect.gather [hbm4b:s1+s14], $0x80, s4, s14, $0xb8;
	[tilespmem:$0x16500] =	vst v63  }
0x3f: {  	_ =	swait.ge [sflag:s16], $0x2800  }
0x40: {  	[sflag:s16] =	ssyncset.done $0x0  }
0x41: {  	[sflag:s16] =	ssyncadd.s32 $0xFFFFD800  }
0x42: {  	[spmem:s3] =	stream.indirect.scatter.add.f32 [tilespmem:s15], [sflag:$0x2], $0x80, s13, s14, $0xb8;
	[tilespmem:$0x16500] =	vst v63  }
0x43: {  	_ =	swait.ge [sflag:s12], $0x2800  }
0x44: {  	s17 =	sadd.s32 $0x1, s17;
	[sflag:s12] =	ssyncset.done $0x0  }
0x45: {  	p0 =	sne.s32 s17, s8;
	[sflag:s12] =	ssyncadd.s32 $0xFFFFD800  }
.Ltmp1:
0x46: {  	[bflag:$0x0] =	sbarrier.arrive $0xFFFF;
	(pc) =	sbr.rel @p0 .LBB2_1-.Ltmp1, $4  }
0x47: {  	[hbm:s7], [sflag:s6] =	dma.local [spmem:s11], $0x2780  }
0x48: {  	_ =	swait.ge [sflag:s12], $0x2780  }
0x49: {  	[sflag:s12] =	ssyncset.done $0x0  }
0x4a: {  	[sflag:s12] =	ssyncadd.s32 $0xFFFFD880  }
0x4b: {  	_ =	sfence.sel $0x180000  }
0x4c: {  	[bflag:$0x0] =	sbarrier.arrive $0xFFFF  }
0x4d: {  	p0 =	sne.s32 s0, $0x0;
	_ =	strace $0x9000004D  }
0x4e: {  	s0 =	sadd.s32 @!p0 $0x100000, s2;
	[bflag:$0x2] =	sbarrier.arrive $0xFFFF  }
0x4f: {  	[sflag:s0] =	ssyncadd.tile.s32 @!p0 $0x1;
	_ =	shalt  }
.Lfunc_end2:
_tile_overlayer_lowered:
.L_overlay_start_2:
0x50: {  	(tag) =	ssettag $0x2  }
0x51: {  	s0 =	rddreg [dreg:$0x0];
	s2 =	stileid.u32  }
0x52: {  	s1 =	rddreg [dreg:$0x1];
	p0 =	sne.s32 s2, $0x0  }
0x53: {  	s3 =	rddreg [dreg:$0x2];
	[bflag:$0x3] =	sbarrier.arrive $0xFFFF;
	s2 =	simm.s32 @!p0 $0x1C02  }
0x54: {  	[timem:s3], [sflag:s2] =	dma.local @!p0 [hbm:s0], s1  }
0x55: {  	s0 =	simm.s32 @!p0 $0x2  }
0x56: {  	_ =	swait.ge @!p0 [sflag:s0], s1  }
0x57: {  	s1 =	ssub.s32 @!p0 $0x0, s1;
	[sflag:s0] =	ssyncset.done @!p0 $0x0  }
0x58: {  	[sflag:s0] =	ssyncadd.s32 @!p0 s1  }
0x59: {  	[bflag:$0x3] =	sbarrier.arrive $0xFFFF  }
0x5a: {  	_ =	shalt  }

// kernel: kernel.8.cloned.1.call-start
scs
__scs_entry_jumppad:
0x0: {  	(pc) =	sbr.rel $0x88, $3  }
0x1: {  	(tag) =	ssettag $0x0;
	lr =	simm.s32 $0x1  }
0x2: {  	[smem:$0x3F9B] =	sst lr;
	_ =	strace $0xD0000000  }
0x3: {  	_ = 	snop  }
0x4: {  	_ = 	snop  }
0x5: {  	_ = 	snop  }
0x6: {  	_ = 	snop  }
0x7: {  	_ = 	snop  }
__scs_overlays_trampoline_lowered:
0x8: {  	[smem:$0x3FAA] =	sst s0  }
0x9: {  	[smem:$0x3FAB] =	sst s1  }
0xa: {  	[smem:$0x3FAC] =	sst s2  }
0xb: {  	[smem:$0x3FAD] =	sst s3  }
0xc: {  	[smem:$0x3FAE] =	sst s4  }
0xd: {  	[smem:$0x3FAF] =	sst s5  }
0xe: {  	[smem:$0x3FB0] =	sst s6  }
0xf: {  	[smem:$0x3FB1] =	sst s7  }
0x10: {  	[smem:$0x3FB2] =	sst s8  }
0x11: {  	[smem:$0x3FB3] =	sst s9;
	s0 =	simm.s32 @!p0 $0x0  }
0x12: {  	s1 =	sld [smem:$0x3F99];
	s0 =	simm.s32 @p0 $0x1  }
0x13: {  	[smem:$0x3FB4] =	sst s0;
	s0 =	simm.s32 @!p1 $0x0  }
0x14: {  	s2 =	sld [smem:$0x3F98];
	s0 =	simm.s32 @p1 $0x1  }
0x15: {  	[smem:$0x3FB5] =	sst s0;
	s0 =	simm.s32 @!p2 $0x0  }
0x16: {  	s3 =	sld [smem:$0x3FDB];
	s0 =	simm.s32 @p2 $0x1  }
0x17: {  	s4 =	simm.s32 $0x1BF5;
	[smem:$0x3FB7] =	sst s0  }
0x18: {  	s0 =	sld [smem:$0x3F9A];
	_ =	swait.ge [sflag:s4], $0x0  }
0x19: {  	s7 =	sld [smem:$0x3F9B]  }
0x1a: {  	s8 =	sadd.s32 $0xFFFFE003, lr  }
0x1b: {  	s9 =	sadd.s32 $0xFFFFFEF7, lr;
	s5 =	simm.s32 $0xFFFFFFFF;
	p2 =	slt.u32 s8, $0xFFFFF086  }
0x1c: {  	p1 =	slt.u32 s9, $0xF7A;
	s5 =	simm.s32 @!p2 $0x0  }
0x1d: {  	s5 =	simm.s32 @p1 $0x1;
	p0 =	seq.s32 s7, s2  }
0x1e: {  	s7 =	smul.u32 @!p0 $0xF7A, s2;
	p2 =	seq.s32 @!p0 s5, $0x0  }
0x1f: {  	s9 =	smul.u32 $0xF7A, s1;
	s8 =	simm.s32 @!p0 $0x1BF5;
	p2 =	por !p2, p0  }
0x20: {  	[sflag:s8] =	ssyncset.s32 @!p0 $0xFFFFF086;
	s6 =	sadd.s32 @!p0 s3, s7;
	s7 =	simm.s32 @!p0 $0x108  }
0x21: {  	s3 =	sadd.s32 s3, s9;
	s6 =	sadd.s32 @!p0 $0x88, s6;
	s7 =	simm.s32 @p2 $0x1082  }
0x22: {  	[simem:s7], [sflag:s8] =	dma.local @!p0 [hbm:s6], $0xF7A  }
0x23: {  	s9 =	sor.u32 $0xD0000000, s2;
	s6 =	simm.s32 $0x108;
	_ =	swait.ge @!p0 [sflag:s8], $0x0  }
0x24: {  	s3 =	sadd.s32 $0x88, s3;
	s6 =	simm.s32 @!p1 $0x1082;
	[sflag:s4] =	ssyncset.s32 $0xFFFFF086  }
0x25: {  	[simem:s6], [sflag:s4] =	dma.local [hbm:s3], $0xF7A  }
0x26: {  	[smem:$0x3F9B] =	sst s1;
	(tag) =	ssettag s2;
	_ =	strace s9  }
0x27: {  	s1 =	sld [smem:$0x3FAB]  }
0x28: {  	s2 =	sld [smem:$0x3FAC]  }
0x29: {  	s4 =	sld [smem:$0x3FAE]  }
0x2a: {  	p0 =	seq.s32 s5, $0x0;
	s5 =	sld [smem:$0x3FAF]  }
0x2b: {  	s6 =	sld [smem:$0x3FB0]  }
0x2c: {  	s7 =	sld [smem:$0x3FB1]  }
0x2d: {  	s3 =	simm.s32 $0x108;
	s8 =	sld [smem:$0x3FB2]  }
0x2e: {  	s3 =	simm.s32 @!p0 $0x1082;
	s9 =	sld [smem:$0x3FB3]  }
0x2f: {  	lr =	sadd.s32 s0, s3;
	s0 =	sld [smem:$0x3FAA]  }
0x30: {  	s3 =	sld [smem:$0x3FAD]  }
0x31: {  	[smem:$0x3FB6] =	sst s10  }
0x32: {  	s10 =	sld [smem:$0x3FB4];
	_ =	sdelay $0x3  }
0x33: {  	p0 =	seq.s32 s10, $0x1;
	s10 =	sld [smem:$0x3FB6];
	_ =	sdelay $0x3  }
0x34: {  	[smem:$0x3FB6] =	sst s10  }
0x35: {  	s10 =	sld [smem:$0x3FB5];
	_ =	sdelay $0x3  }
0x36: {  	p1 =	seq.s32 s10, $0x1;
	s10 =	sld [smem:$0x3FB6];
	_ =	sdelay $0x3  }
0x37: {  	[smem:$0x3FB6] =	sst s10  }
0x38: {  	s10 =	sld [smem:$0x3FB7]  }
0x39: {  	_ = 	snop;
	(pc) =	sbr.ind lr, $3  }
0x3a: {  	_ = 	snop  }
0x3b: {  	_ = 	snop  }
0x3c: {  	p2 =	seq.s32 s10, $0x1;
	s10 =	sld [smem:$0x3FB6]  }
0x3d: {  	_ =	shalt  }
0x3e: {  	_ =	shalt  }
0x3f: {  	_ =	shalt  }
0x40: {  	_ =	shalt  }
0x41: {  	_ =	shalt  }
0x42: {  	_ =	shalt  }
0x43: {  	_ =	shalt  }
0x44: {  	_ =	shalt  }
0x45: {  	_ =	shalt  }
0x46: {  	_ =	shalt  }
0x47: {  	_ =	shalt  }
0x48: {  	_ =	shalt  }
0x49: {  	_ =	shalt  }
0x4a: {  	_ =	shalt  }
0x4b: {  	_ =	shalt  }
0x4c: {  	_ =	shalt  }
0x4d: {  	_ =	shalt  }
0x4e: {  	_ =	shalt  }
0x4f: {  	_ =	shalt  }
0x50: {  	_ =	shalt  }
0x51: {  	_ =	shalt  }
0x52: {  	_ =	shalt  }
0x53: {  	_ =	shalt  }
0x54: {  	_ =	shalt  }
0x55: {  	_ =	shalt  }
0x56: {  	_ =	shalt  }
0x57: {  	_ =	shalt  }
0x58: {  	_ =	shalt  }
0x59: {  	_ =	shalt  }
0x5a: {  	_ =	shalt  }
0x5b: {  	_ =	shalt  }
0x5c: {  	_ =	shalt  }
0x5d: {  	_ =	shalt  }
0x5e: {  	_ =	shalt  }
0x5f: {  	_ =	shalt  }
0x60: {  	_ =	shalt  }
0x61: {  	_ =	shalt  }
0x62: {  	_ =	shalt  }
0x63: {  	_ =	shalt  }
0x64: {  	_ =	shalt  }
0x65: {  	_ =	shalt  }
0x66: {  	_ =	shalt  }
0x67: {  	_ =	shalt  }
0x68: {  	_ =	shalt  }
0x69: {  	_ =	shalt  }
0x6a: {  	_ =	shalt  }
0x6b: {  	_ =	shalt  }
0x6c: {  	_ =	shalt  }
0x6d: {  	_ =	shalt  }
0x6e: {  	_ =	shalt  }
0x6f: {  	_ =	shalt  }
0x70: {  	_ =	shalt  }
0x71: {  	_ =	shalt  }
0x72: {  	_ =	shalt  }
0x73: {  	_ =	shalt  }
0x74: {  	_ =	shalt  }
0x75: {  	_ =	shalt  }
0x76: {  	_ =	shalt  }
0x77: {  	_ =	shalt  }
0x78: {  	_ =	shalt  }
0x79: {  	_ =	shalt  }
0x7a: {  	_ =	shalt  }
0x7b: {  	_ =	shalt  }
0x7c: {  	_ =	shalt  }
0x7d: {  	_ =	shalt  }
0x7e: {  	_ =	shalt  }
0x7f: {  	_ =	shalt  }
0x80: {  	_ =	shalt  }
0x81: {  	_ =	shalt  }
0x82: {  	_ =	shalt  }
0x83: {  	_ =	shalt  }
0x84: {  	_ =	shalt  }
0x85: {  	_ =	shalt  }
0x86: {  	_ =	shalt  }
0x87: {  	_ =	shalt  }
.Lfunc_end0:
.L_simem_size_0:
called_computation_lowered:
.L_overlay_start_0:
0x88: {  	s2 =	sld [smem:$0x3FD9]  }
0x89: {  	s3 =	sld [smem:$0x3FFE];
	_ =	sdelay $0x1  }
0x8a: {  	s1 =	srdreg.scid  }
0x8b: {  	s0 =	sand.u32 $0x1, s1  }
0x8c: {  	s16 =	sshll.u32 s0, $0xA;
	s2 =	sadd.s32 s3, s2  }
0x8d: {  	s2 =	sadd.s32 s2, s16  }
0x8e: {  	[smem:$0x3FC2] =	sst s2  }
0x8f: {  	_ = 	snop  }
0x90: {  	(tm) =	ssettm $0x1  }
0x91: {  	s17 =	sld [smem:$0x3FFB];
	_ =	sdelay $0x3  }
0x92: {  	_ =	strace s17  }
0x93: {  	s2 =	sld [smem:$0x3FFC];
	_ =	sdelay $0x3  }
0x94: {  	_ =	strace s2  }
0x95: {  	s2 =	sld [smem:$0x3FFD];
	_ =	sdelay $0x3  }
0x96: {  	_ =	strace s2  }
0x97: {  	_ =	strace $0x8FFFFFFF  }
0x98: {  	s18 =	sld [smem:$0x3FDB];
	_ =	sdelay $0x1  }
0x99: {  	s19 =	simm.s32 $_scs_section_size  }
0x9a: {  	s4 =	simm.s32 $_size__tile_overlayer_lowered;
	s5 =	simm.s32 $_tile_overlayer_lowered  }
0x9b: {  	s22 =	simm.s32 $0x1BFF;
	s21 =	sshll.u32 s5, $0x1;
	s2 =	sadd.s32 s19, s18  }
0x9c: {  	s6 =	simm.s32 $0x0;
	s20 =	sshll.u32 s4, $0x1;
	s4 =	sadd.s32 s21, s2  }
0x9d: {  	[timem:s6], [sflag:s22] =	dma.local [hbm:s4], s20  }
0x9e: {  	_ =	swait.ge [sflag:s22], s20  }
0x9f: {  	s3 =	ssub.s32 $0x0, s20;
	[sflag:s22] =	ssyncset.done $0x0  }
0xa0: {  	[sflag:s22] =	ssyncadd.s32 s3;
	_ =	sdelay $0x1  }
0xa1: {  	s23 =	simm.s32 $0x1B8B  }
0xa2: {  	_ =	swait.ge [sflag:s23], $0x1  }
0xa3: {  	[sflag:s23] =	ssyncset.done $0x0  }
0xa4: {  	s25 =	simm.s32 $0x1B8E;
	s24 =	sld [smem:$0x3FFE];
	[sflag:s23] =	ssyncadd.s32 $0xFFFFFFFF  }
0xa5: {  	s26 =	simm.s32 $execute0_lowered;
	[smem:$0x3FD2] =	sst s25  }
0xa6: {  	s4 =	sshll.u32 s26, $0x1;
	_ =	strace $0x80000046;
	[dreg:$0x1] =	wrdreg $0xFFFFFFFF  }
0xa7: {  	s28 =	simm.s32 $_size_execute0_lowered;
	s2 =	sadd.s32 s2, s4;
	[dreg:$0x0] =	wrdreg $0x0  }
0xa8: {  	s4 =	sshll.u32 s28, $0x1;
	[dreg:$0x2] =	wrdreg s2  }
0xa9: {  	[dreg:$0x3] =	wrdreg s4  }
0xaa: {  	[dreg:$0x4] =	wrdreg $0xC0  }
0xab: {  	_ =	task [dreg:s6], $0x5FFFF  }
0xac: {  	[dreg:$0x1] =	wrdreg $0xFFFFFFFF  }
0xad: {  	[dreg:$0x0] =	wrdreg $0x60  }
0xae: {  	[dreg:$0x2] =	wrdreg s24  }
0xaf: {  	[dreg:$0x3] =	wrdreg $0x28800  }
0xb0: {  	[dreg:$0x4] =	wrdreg $0x9  }
0xb1: {  	_ =	task.clear_ibuf [dreg:s6], $0x5FFFF;
	_ =	strace $0x90000046  }
0xb2: {  	s29 =	simm.s32 $0x9;
	_ =	strace $0x80000048  }
0xb3: {  	_ =	swait.ge [sflag:s29], $0x1  }
0xb4: {  	[sflag:s29] =	ssyncadd.s32 $0xFFFFFFFF  }
0xb5: {  	_ =	strace $0x90000048  }
0xb6: {  	_ =	sfence  }
0xb7: {  	s30 =	sld [smem:$0x0];
	_ =	sdelay $0x2  }
0xb8: {  	s31 =	sshll.u32 s1, $0xD;
	s1 =	sshrl.u32 s1, $0x2  }
0xb9: {  	s3 =	sand.u32 $0x4000, s31;
	s1 =	sadd.s32 s1, s30  }
0xba: {  	s0 =	sor.u32 s3, s0;
	s1 =	sshll.u32 s1, $0x11  }
0xbb: {  	s0 =	sor.u32 s1, s0  }
0xbc: {  	s0 =	sadd.s32 $0x8F2B, s0  }
0xbd: {  	[sflag:s0] =	ssyncadd.remote.s32 $0x1  }
0xbe: {  	_ =	sfence.sel $0xFFFF  }
0xbf: {  	[dreg:$0x0] =	wrdreg $0xFFFFFFFF;
	(pc) =	sbr.abs _section_cstart, $3  }
0xc0: {  	[dreg:$0x1] =	wrdreg $0xFFFFFFFF  }
0xc1: {  	_ =	task.clear_ibuf [dreg:s6], $0x2FFFF;
	_ =	strace $0x9FFFFFFF  }
0xc2: {  	(tm) =	ssettm $0x7FFFFFFF  }
0xc3: {  	_ =	shalt  }
tec
execute0_lowered:
.L_overlay_start_1:
0x0: {  	(tag) =	ssettag $0x1  }
0x1: {  	s1 =	srdreg.scid  }
0x2: {  	s0 =	stileid.u32;
	s4 =	rddreg [dreg:$0x0]  }
0x3: {  	s2 =	rddreg [dreg:$0x1];
	s6 =	smul.u32 $0x4E20, s0  }
0x4: {  	s3 =	simm.s32 $0x0;
	s12 =	simm.s32 $0x80;
	s26 =	smul.u32 $0x13C00, s0  }
0x5: {  	s5 =	sand.u32 $0x1, s1;
	s1 =	rddreg [dreg:$0x2];
	s29 =	smul.u32 $0x4F000, s0  }
0x6: {  	s13 =	simm.s32 $0x0;
	[smem:$0x7FF] =	sst s3;
	s7 =	smul.u32 $0x2710, s5  }
0x7: {  	s31 =	sshll.u32 s0, $0x6;
	s8 =	smul.u32 $0x13C000, s5;
	s5 =	ssub.s32 $0x2, s5  }
0x8: {  	_ =	strace $0x80000047;
	s28 =	sshrl.u32 s26, $0x3;
	s10 =	sshrl.u32 s5, $0x1  }
0x9: {  	s30 =	sshrl.u32 s29, $0x2;
	s6 =	sadd.s32 s7, s6;
	s7 =	sadd.s32 s26, s8  }
0xa: {  	s10 =	ssub.s32 s5, s10;
	s11 =	sadd.s32 s30, s2;
	s6 =	sshrl.u32 s6, $0x3  }
0xb: {  	s7 =	sshrl.u32 s7, $0x3;
	s9 =	sadd.s32 s6, s4;
	s6 =	sadd.s32 s28, s4  }
0xc: {  	s5 =	sor.u32 $0x1C01, s31;
	s7 =	sadd.s32 s7, s4;
	s4 =	sadd.s32 $0x16000, s6  }
0xd: {  	s6 =	sadd.s32 $0x3D800, s7;
	s7 =	smax.u32 s10, $0x1;
	s8 =	sadd.s32 $0xC200, s9  }
0xe: {  	v0 =	vimm.f32 $1.000000000e+00;
	s9 =	sshrl.u32 s11, $0x3;
	s10 =	simm.s32 $0x1;
	s11 =	simm.s32 $0x50  }
.LBB2_1:
0xf: {  	[spmem:s9], [sflag:s5] =	dma.local [hbm:s4], $0x2780  }
0x10: {  	_ =	swait.ge [sflag:s10], $0x2780  }
0x11: {  	[sflag:s10] =	ssyncset.done $0x0  }
0x12: {  	[sflag:s10] =	ssyncadd.s32 $0xFFFFD880  }
0x13: {  	[tilespmem:$0x80] =	vst v0  }
0x14: {  	[tilespmem:$0x100] =	vst v0  }
0x15: {  	[tilespmem:$0x180] =	vst v0  }
0x16: {  	[tilespmem:$0x200] =	vst v0  }
0x17: {  	[tilespmem:$0x280] =	vst v0  }
0x18: {  	[tilespmem:$0x300] =	vst v0  }
0x19: {  	[tilespmem:$0x380] =	vst v0  }
0x1a: {  	[tilespmem:$0x400] =	vst v0  }
0x1b: {  	[tilespmem:$0x480] =	vst v0  }
0x1c: {  	[tilespmem:$0x500] =	vst v0  }
0x1d: {  	[tilespmem:$0x580] =	vst v0  }
0x1e: {  	[tilespmem:$0x600] =	vst v0  }
0x1f: {  	[tilespmem:$0x680] =	vst v0  }
0x20: {  	[tilespmem:$0x700] =	vst v0  }
0x21: {  	[tilespmem:$0x780] =	vst v0  }
0x22: {  	[tilespmem:$0x800] =	vst v0  }
0x23: {  	[tilespmem:$0x880] =	vst v0  }
0x24: {  	[tilespmem:$0x900] =	vst v0  }
0x25: {  	[tilespmem:$0x980] =	vst v0  }
0x26: {  	[tilespmem:$0xA00] =	vst v0  }
0x27: {  	[tilespmem:$0xA80] =	vst v0  }
0x28: {  	[tilespmem:$0xB00] =	vst v0  }
0x29: {  	[tilespmem:$0xB80] =	vst v0  }
0x2a: {  	[tilespmem:$0xC00] =	vst v0  }
0x2b: {  	[tilespmem:$0xC80] =	vst v0  }
0x2c: {  	[tilespmem:$0xD00] =	vst v0  }
0x2d: {  	[tilespmem:$0xD80] =	vst v0  }
0x2e: {  	[tilespmem:$0xE00] =	vst v0  }
0x2f: {  	[tilespmem:$0xE80] =	vst v0  }
0x30: {  	[tilespmem:$0xF00] =	vst v0  }
0x31: {  	[tilespmem:$0xF80] =	vst v0  }
0x32: {  	[tilespmem:$0x1000] =	vst v0  }
0x33: {  	[tilespmem:$0x1080] =	vst v0  }
0x34: {  	[tilespmem:$0x1100] =	vst v0  }
0x35: {  	[tilespmem:$0x1180] =	vst v0  }
0x36: {  	[tilespmem:$0x1200] =	vst v0  }
0x37: {  	[tilespmem:$0x1280] =	vst v0  }
0x38: {  	[tilespmem:$0x1300] =	vst v0  }
0x39: {  	[tilespmem:$0x1380] =	vst v0  }
0x3a: {  	[tilespmem:$0x1400] =	vst v0  }
0x3b: {  	[tilespmem:$0x1480] =	vst v0  }
0x3c: {  	[tilespmem:$0x1500] =	vst v0  }
0x3d: {  	[tilespmem:$0x1580] =	vst v0  }
0x3e: {  	[tilespmem:$0x1600] =	vst v0  }
0x3f: {  	[tilespmem:$0x1680] =	vst v0  }
0x40: {  	[tilespmem:$0x1700] =	vst v0  }
0x41: {  	[tilespmem:$0x1780] =	vst v0  }
0x42: {  	[tilespmem:$0x1800] =	vst v0  }
0x43: {  	[tilespmem:$0x1880] =	vst v0  }
0x44: {  	[tilespmem:$0x1900] =	vst v0  }
0x45: {  	[tilespmem:$0x1980] =	vst v0  }
0x46: {  	[tilespmem:$0x1A00] =	vst v0  }
0x47: {  	[tilespmem:$0x1A80] =	vst v0  }
0x48: {  	[tilespmem:$0x1B00] =	vst v0  }
0x49: {  	[tilespmem:$0x1B80] =	vst v0  }
0x4a: {  	[tilespmem:$0x1C00] =	vst v0  }
0x4b: {  	[tilespmem:$0x1C80] =	vst v0  }
0x4c: {  	[tilespmem:$0x1D00] =	vst v0  }
0x4d: {  	[tilespmem:$0x1D80] =	vst v0  }
0x4e: {  	[tilespmem:$0x1E00] =	vst v0  }
0x4f: {  	[tilespmem:$0x1E80] =	vst v0  }
0x50: {  	[tilespmem:$0x1F00] =	vst v0  }
0x51: {  	[tilespmem:$0x1F80] =	vst v0  }
0x52: {  	[tilespmem:$0x2000] =	vst v0  }
0x53: {  	[tilespmem:$0x2080] =	vst v0  }
0x54: {  	[tilespmem:$0x2100] =	vst v0  }
0x55: {  	[tilespmem:$0x2180] =	vst v0  }
0x56: {  	[tilespmem:$0x2200] =	vst v0  }
0x57: {  	[tilespmem:$0x2280] =	vst v0  }
0x58: {  	[tilespmem:$0x2300] =	vst v0  }
0x59: {  	[tilespmem:$0x2380] =	vst v0  }
0x5a: {  	[tilespmem:$0x2400] =	vst v0  }
0x5b: {  	[tilespmem:$0x2480] =	vst v0  }
0x5c: {  	[tilespmem:$0x2500] =	vst v0  }
0x5d: {  	[tilespmem:$0x2580] =	vst v0  }
0x5e: {  	[tilespmem:$0x2600] =	vst v0  }
0x5f: {  	[tilespmem:$0x2680] =	vst v0  }
0x60: {  	[tilespmem:$0x2700] =	vst v0  }
0x61: {  	[tilespmem:$0x2780] =	vst v0  }
0x62: {  	[tilespmem:$0x2800] =	vst v0  }
0x63: {  	s14 =	sadd.s32 $0x0, s8;
	[bflag:$0x0] =	sbarrier.arrive $0xFFFF  }
0x64: {  	[tilespmem:s3], [sflag:$0x1] =	stream.linear.gather [hbm4b:s14+s3], $0x50, $0x38;
	[tilespmem:$0x5000] =	vst v63  }
0x65: {  	_ =	swait.ge [sflag:s10], $0x50  }
0x66: {  	[sflag:s10] =	ssyncset.done $0x0  }
0x67: {  	[sflag:s10] =	ssyncadd.s32 $0xFFFFFFB0  }
0x68: {  	[spmem:s2] =	stream.indirect.scatter.add.f32 [tilespmem:s12], [sflag:$0x1], $0x10, s3, s11, $0xb8;
	[tilespmem:$0x5000] =	vst v63  }
0x69: {  	_ =	swait.ge [sflag:s10], $0x500  }
0x6a: {  	s15 =	simm.s32 $0x14;
	s14 =	simm.s32 $0xA;
	[sflag:s10] =	ssyncset.done $0x0  }
.LBB2_2:
0x6b: {  	s16 =	sadd.s32 s14, s8  }
0x6c: {  	[sflag:s10] =	ssyncadd.s32 $0xFFFFFB00;
	s14 =	smov.u32 s15;
	s17 =	sadd.s32 $0xA, s15  }
0x6d: {  	[tilespmem:s3], [sflag:$0x1] =	stream.linear.gather [hbm4b:s16+s3], $0x50, $0x38;
	[tilespmem:$0x5000] =	vst v63  }
0x6e: {  	p0 =	sne.s32 s15, $0x4D8;
	_ =	swait.ge [sflag:s10], $0x50  }
.Ltmp0:
0x6f: {  	[sflag:s10] =	ssyncset.done $0x0;
	(pc) =	sbr.rel @p0 .LBB2_2-.Ltmp0, $4  }
0x70: {  	[sflag:s10] =	ssyncadd.s32 $0xFFFFFFB0  }
0x71: {  	[spmem:s2] =	stream.indirect.scatter.add.f32 [tilespmem:s12], [sflag:$0x1], $0x10, s3, s11, $0xb8;
	[tilespmem:$0x5000] =	vst v63  }
0x72: {  	_ =	swait.ge [sflag:s10], $0x500  }
0x73: {  	s15 =	smov.u32 s17;
	[sflag:s10] =	ssyncset.done $0x0  }
0x74: {  	s14 =	sadd.s32 s14, s8;
	[sflag:s10] =	ssyncadd.s32 $0xFFFFFB00  }
0x75: {  	[tilespmem:s3], [sflag:$0x1] =	stream.linear.gather [hbm4b:s14+s3], $0x50, $0x38;
	[tilespmem:$0x5000] =	vst v63  }
0x76: {  	_ =	swait.ge [sflag:s10], $0x50  }
0x77: {  	[sflag:s10] =	ssyncset.done $0x0  }
0x78: {  	[sflag:s10] =	ssyncadd.s32 $0xFFFFFFB0  }
0x79: {  	[spmem:s2] =	stream.indirect.scatter.add.f32 [tilespmem:s12], [sflag:$0x1], $0x10, s3, s11, $0xb8;
	[tilespmem:$0x5000] =	vst v63  }
0x7a: {  	_ =	swait.ge [sflag:s10], $0x500  }
0x7b: {  	s13 =	sadd.s32 $0x1, s13;
	[sflag:s10] =	ssyncset.done $0x0  }
0x7c: {  	p0 =	sne.s32 s13, s7;
	[sflag:s10] =	ssyncadd.s32 $0xFFFFFB00  }
.Ltmp1:
0x7d: {  	[bflag:$0x0] =	sbarrier.arrive $0xFFFF;
	(pc) =	sbr.rel @p0 .LBB2_1-.Ltmp1, $4  }
0x7e: {  	[hbm:s6], [sflag:s5] =	dma.local [spmem:s9], $0x2780  }
0x7f: {  	_ =	swait.ge [sflag:s10], $0x2780  }
0x80: {  	[sflag:s10] =	ssyncset.done $0x0  }
0x81: {  	[sflag:s10] =	ssyncadd.s32 $0xFFFFD880  }
0x82: {  	_ =	sfence.sel $0x180000  }
0x83: {  	[bflag:$0x0] =	sbarrier.arrive $0xFFFF  }
0x84: {  	p0 =	sne.s32 s0, $0x0;
	_ =	strace $0x90000047  }
0x85: {  	s0 =	sadd.s32 @!p0 $0x100000, s1;
	[bflag:$0x2] =	sbarrier.arrive $0xFFFF  }
0x86: {  	[sflag:s0] =	ssyncadd.tile.s32 @!p0 $0x1;
	_ =	shalt  }
.Lfunc_end2:
_tile_overlayer_lowered:
.L_overlay_start_2:
0x87: {  	(tag) =	ssettag $0x2  }
0x88: {  	s0 =	rddreg [dreg:$0x0];
	s2 =	stileid.u32  }
0x89: {  	s1 =	rddreg [dreg:$0x1];
	p0 =	sne.s32 s2, $0x0  }
0x8a: {  	s3 =	rddreg [dreg:$0x2];
	[bflag:$0x3] =	sbarrier.arrive $0xFFFF;
	s2 =	simm.s32 @!p0 $0x1C01  }
0x8b: {  	[timem:s3], [sflag:s2] =	dma.local @!p0 [hbm:s0], s1  }
0x8c: {  	s0 =	simm.s32 @!p0 $0x1  }
0x8d: {  	_ =	swait.ge @!p0 [sflag:s0], s1  }
0x8e: {  	s1 =	ssub.s32 @!p0 $0x0, s1;
	[sflag:s0] =	ssyncset.done @!p0 $0x0  }
0x8f: {  	[sflag:s0] =	ssyncadd.s32 @!p0 s1  }
0x90: {  	[bflag:$0x3] =	sbarrier.arrive $0xFFFF  }
0x91: {  	_ =	shalt  }

</sc_bundles>
